<compile_context>
chip_gen: v7x
topology: tpu7x:2x2x1
jax: 0.10.2.dev20260603
libtpu: 0.0.44.dev20260713+nightly
codegen_flags: <defaults>
</compile_context>

<pallas_src>
import jax
import jax.numpy as jnp
from jax import lax
from jax.experimental import pallas as pl
from jax.experimental.pallas import tpu as pltpu
from jax.experimental.pallas import tpu_sc as plsc

B, N, H = 8, 128, 128
L = 16
QJ = N // 4
NCH = QJ // L


def _sc_er_agg_body(er_hbm, adj_hbm, red_hbm, er_vm, adj_vm, out_vm):
    wid = lax.axis_index("s") * 2 + lax.axis_index("c")
    b = wid // 4
    q = wid % 4
    pltpu.sync_copy(adj_hbm.at[pl.ds(q * QJ, QJ), :], adj_vm)
    pltpu.sync_copy(er_hbm.at[b, :, pl.ds(q * QJ * 3, QJ * 3)], er_vm)

    jl = [ch * L + lax.iota(jnp.int32, L) for ch in range(NCH)]
    jc = [[j3 * 3 + c for c in range(3)] for j3 in jl]
    zero = jnp.zeros((L,), jnp.float32)
    zf = jnp.zeros((L,), jnp.float32)
    iv0 = jnp.zeros((L,), jnp.int32)

    def body(_, st):
        accs, iv = st
        new = []
        for ch in range(NCH):
            m = plsc.load_gather(adj_vm, [jl[ch], iv])
            sel = m > 0
            row = []
            for c in range(3):
                e = plsc.load_gather(er_vm, [iv, jc[ch][c]])
                row.append(accs[ch][c] + jnp.where(sel, e, zf))
            new.append(tuple(row))
        return (tuple(new), iv + 1)

    init = (tuple((zero, zero, zero) for _ in range(NCH)), iv0)
    accs, _ = lax.fori_loop(0, N, body, init, unroll=4)
    for ch in range(NCH):
        for c in range(3):
            out_vm[c, pl.ds(ch * L, L)] = accs[ch][c]

    for c in range(3):
        pltpu.sync_copy(out_vm.at[c], red_hbm.at[b, c, pl.ds(q * QJ, QJ)])


def _sc_er_agg(er, adj):
    mesh = plsc.VectorSubcoreMesh(core_axis_name="c", subcore_axis_name="s")
    return pl.kernel(
        _sc_er_agg_body,
        mesh=mesh,
        compiler_params=pltpu.CompilerParams(use_tc_tiling_on_sc=False,
                                             needs_layout_passes=False),
        out_type=jax.ShapeDtypeStruct((B, 3, N), jnp.float32),
        scratch_types=[
            pltpu.VMEM((N, QJ * 3), jnp.float32),
            pltpu.VMEM((QJ, N), jnp.int32),
            pltpu.VMEM((3, QJ), jnp.float32),
        ],
    )(er, adj)


def _fused_kernel(adj_ref, ne_ref, red_ref, wmsg_ref, bmsg_ref,
                  wup_ref, bup_ref, gamma_ref, beta_ref, out_ref):
    f32 = jnp.float32
    dn = (((1,), (1,)), ((), ()))
    mask = (adj_ref[:] > 0).astype(f32)
    deg = jnp.sum(mask, axis=1, keepdims=True)
    bias_jh = deg * bmsg_ref[:]
    wn = wmsg_ref[:, :H]
    we = wmsg_ref[:, H:]
    wu1 = wup_ref[:, :H]
    wu2 = wup_ref[:, H:]
    bup = bup_ref[:]

    s = jnp.zeros((1, H), f32)
    s2 = jnp.zeros((1, H), f32)
    for b in range(B):
        ne_b = ne_ref[b]
        red_b = red_ref[b]
        term_b = lax.dot_general(red_b, we, (((0,), (1,)), ((), ())),
                                 preferred_element_type=f32)
        proj_b = lax.dot_general(ne_b, wn, dn,
                                 preferred_element_type=f32)
        msg_b = jnp.dot(mask, proj_b, preferred_element_type=f32) \
            + term_b + bias_jh
        up_b = lax.dot_general(ne_b, wu1, dn, preferred_element_type=f32) \
            + lax.dot_general(msg_b, wu2, dn, preferred_element_type=f32) \
            + bup
        up_b = jnp.maximum(up_b, 0.0)
        out_ref[b] = up_b
        s = s + jnp.sum(up_b, axis=0, keepdims=True)
        s2 = s2 + jnp.sum(up_b * up_b, axis=0, keepdims=True)

    inv_n = 1.0 / (B * N)
    mean = s * inv_n
    var = s2 * inv_n - mean * mean
    scale = lax.rsqrt(var + 1e-5) * gamma_ref[:]
    shift = beta_ref[:] - mean * scale
    for b in range(B):
        out_ref[b] = out_ref[b] * scale + shift + ne_ref[b]


def kernel(node_embeddings, edge_relations, adjacency, W_msg, b_msg,
           W_up, b_up, bn_gamma, bn_beta):
    adj = adjacency.astype(jnp.int32)
    er3 = edge_relations.reshape(B, N, N * 3)
    red = _sc_er_agg(er3, adj)
    bmsg = b_msg.reshape(1, H)
    bup = b_up.reshape(1, H)
    gamma = bn_gamma.reshape(1, H)
    beta = bn_beta.reshape(1, H)
    return pl.pallas_call(
        _fused_kernel,
        out_shape=jax.ShapeDtypeStruct((B, N, H), jnp.float32),
    )(adj, node_embeddings, red, W_msg, bmsg, W_up, bup, gamma, beta)

# --- scband reference (transcript-rebuilt; emitter-appended) ---
"""Pipeline reference for scband-improved-message-passing-layer-77601469104426 (READ-ONLY COPY).

The authoritative reference and input builder live on the scoring server;
editing this copy changes nothing except your own understanding.
"""

import jax, jax.numpy as jnp
import numpy as np

B, N, H = 8, 128, 128


def _linear_params(key, out_f, in_f):
    k1, k2 = jax.random.split(key)
    bound = 1.0 / np.sqrt(in_f)
    W = jax.random.uniform(k1, (out_f, in_f), jnp.float32, -bound, bound)
    b = jax.random.uniform(k2, (out_f,), jnp.float32, -bound, bound)
    return W, b


def setup_inputs(seed: int = 0) -> dict:
    key = jax.random.key(seed)
    ks = jax.random.split(key, 8)
    node_embeddings = jax.random.normal(ks[0], (B, N, H), jnp.float32)
    edge_relations = jax.random.normal(ks[1], (B, N, N, 3), jnp.float32)
    adjacency = jax.random.randint(ks[2], (N, N), 0, 2, jnp.int64)
    W_msg, b_msg = _linear_params(ks[3], H, H + 3)
    W_up, b_up = _linear_params(ks[4], H, 2 * H)
    bn_gamma = jnp.ones((H,), jnp.float32)
    bn_beta = jnp.zeros((H,), jnp.float32)
    return {
        'node_embeddings': node_embeddings,
        'edge_relations': edge_relations,
        'adjacency': adjacency,
        'W_msg': W_msg, 'b_msg': b_msg,
        'W_up': W_up, 'b_up': b_up,
        'bn_gamma': bn_gamma, 'bn_beta': bn_beta,
    }


def reference(node_embeddings, edge_relations, adjacency, W_msg, b_msg, W_up, b_up, bn_gamma, bn_beta):
    Bv, Nv, Hv = node_embeddings.shape
    # mask[j, i] == 1 iff i is a neighbor of j (adjacency[j, i] > 0)
    maskf = (adjacency > 0).astype(node_embeddings.dtype)
    # msg_input for pair (src=i, dst=j): concat(node_embeddings[:, i, :], edge_relations[:, i, j, :])
    ne = jnp.broadcast_to(node_embeddings[:, :, None, :], (Bv, Nv, Nv, Hv))
    msg_in = jnp.concatenate([ne, edge_relations], axis=-1)  # [B, N, N, H+3] indexed [b, i, j, :]
    msg = msg_in @ W_msg.T + b_msg  # per-edge message (dropout is identity in eval)
    # messages[:, j, :] = sum over i with mask[j, i] > 0 of msg[:, i, j, :]
    messages = jnp.einsum('bijh,ji->bjh', msg, maskf)
    update_input = jnp.concatenate([node_embeddings, messages], axis=-1)  # [B, N, 2H]
    updated = jax.nn.relu(update_input @ W_up.T + b_up)
    flat = updated.reshape(-1, Hv)
    mean = jnp.mean(flat, axis=0)
    var = jnp.var(flat, axis=0)  # biased, as PyTorch BN uses for normalization
    flat = (flat - mean) / jnp.sqrt(var + 1e-5) * bn_gamma + bn_beta
    updated = flat.reshape(Bv, Nv, Hv)
    return updated + node_embeddings

if __name__ == "__main__":
    import jax
    _d = setup_inputs()
    print(jax.jit(kernel)(*tuple(_d.values())))

</pallas_src>

<mosaic_0001>
#map = affine_map<(d0, d1) -> (0, 0, 0)>
#map1 = affine_map<(d0, d1) -> (0, 0)>
module attributes {stable_mosaic.version = 14 : i64} {
  func.func @_sc_er_agg_body(%arg0: i32, %arg1: i32, %arg2: memref<8x128x384xf32, #tpu.memory_space<hbm>>, %arg3: memref<128x128xi32, #tpu.memory_space<hbm>>, %arg4: memref<8x3x128xf32, #tpu.memory_space<hbm>>, %arg5: memref<128x96xf32, #tpu.memory_space<vmem>>, %arg6: memref<32x128xi32, #tpu.memory_space<vmem>>, %arg7: memref<3x32xf32, #tpu.memory_space<vmem>>) attributes {dimension_semantics = [#tpu.dimension_semantics<core_parallel>, #tpu.dimension_semantics<subcore_parallel>], iteration_bounds = array<i64: 2, 16>, scalar_prefetch = 0 : i64, scratch_operands = 3 : i64, tpu.core_type = #tpu.core_type<sc_vector_subcore>, window_params = [{transform_indices = #map}, {transform_indices = #map1}, {transform_indices = #map}]} {
    %mul3A = arith.constant 2 : i32
    %mul3A_0 = arith.muli %arg1, %mul3A : i32
    %add3A = arith.addi %mul3A_0, %arg0 : i32
    %jit3A = arith.constant 4 : i32
    %div3A = arith.divsi %add3A, %jit3A : i32
    %sign3A = arith.constant 0 : i32
    %sign3A_1 = arith.cmpi sgt, %add3A, %sign3A : i32
    %sign3A_2 = arith.extui %sign3A_1 : i1 to i32
    %sign3A_3 = arith.constant 0 : i32
    %sign3A_4 = arith.cmpi slt, %add3A, %sign3A_3 : i32
    %sign3A_5 = arith.extui %sign3A_4 : i1 to i32
    %sign3A_6 = arith.subi %sign3A_2, %sign3A_5 : i32
    %sign3A_7 = arith.constant 0 : i32
    %sign3A_8 = arith.cmpi sgt, %jit3A, %sign3A_7 : i32
    %sign3A_9 = arith.extui %sign3A_8 : i1 to i32
    %sign3A_10 = arith.constant 0 : i32
    %sign3A_11 = arith.cmpi slt, %jit3A, %sign3A_10 : i32
    %sign3A_12 = arith.extui %sign3A_11 : i1 to i32
    %sign3A_13 = arith.subi %sign3A_9, %sign3A_12 : i32
    %ne3A = arith.cmpi ne, %sign3A_6, %sign3A_13 : i32
    %rem3A = arith.remsi %add3A, %jit3A : i32
    %ne3A_14 = arith.constant 0 : i32
    %ne3A_15 = arith.cmpi ne, %rem3A, %ne3A_14 : i32
    %and3A = arith.andi %ne3A, %ne3A_15 : i1
    %sub3A = arith.constant 1 : i32
    %sub3A_16 = arith.subi %div3A, %sub3A : i32
    %select_n3A = arith.select %and3A, %sub3A_16, %div3A : i32
    %jit3A_17 = arith.constant 4 : i32
    %eq3A = arith.constant 0 : i32
    %eq3A_18 = arith.cmpi eq, %jit3A_17, %eq3A : i32
    %jit3A_19 = arith.constant 1 : i32
    %select_n3A_20 = arith.select %eq3A_18, %jit3A_19, %jit3A_17 : i32
    %rem3A_21 = arith.remsi %add3A, %select_n3A_20 : i32
    %ne3A_22 = arith.constant 0 : i32
    %ne3A_23 = arith.cmpi ne, %rem3A_21, %ne3A_22 : i32
    %lt3A = arith.constant 0 : i32
    %lt3A_24 = arith.cmpi slt, %rem3A_21, %lt3A : i32
    %lt3A_25 = arith.constant 0 : i32
    %lt3A_26 = arith.cmpi slt, %select_n3A_20, %lt3A_25 : i32
    %ne3A_27 = arith.xori %lt3A_24, %lt3A_26 : i1
    %and3A_28 = arith.andi %ne3A_27, %ne3A_23 : i1
    %add3A_29 = arith.addi %rem3A_21, %select_n3A_20 : i32
    %select_n3A_30 = arith.select %and3A_28, %add3A_29, %rem3A_21 : i32
    %mul3A_31 = arith.constant 32 : i32
    %mul3A_32 = arith.muli %select_n3A_30, %mul3A_31 : i32
    "tpu.region"() ({
      %run_scoped3A_124 = tpu.sem_alloc : memref<!tpu.dma_semaphore, #tpu.memory_space<semaphore_mem>>
      %dma_start3A = arith.constant 0 : i32
      %dma_start3A_125 = tpu.memref_slice %arg3[%mul3A_32, %dma_start3A] : memref<128x128xi32, #tpu.memory_space<hbm>> -> memref<32x128xi32, #tpu.memory_space<hbm>>
      %dma_start3A_126 = arith.constant 0 : i32
      %dma_start3A_127 = tpu.memref_slice %arg3[%mul3A_32, %dma_start3A_126] : memref<128x128xi32, #tpu.memory_space<hbm>> -> memref<32x128xi32, #tpu.memory_space<hbm>>
      tpu.enqueue_dma source(%dma_start3A_127 : memref<32x128xi32, #tpu.memory_space<hbm>>) target(%arg6 : memref<32x128xi32, #tpu.memory_space<vmem>>) target_semaphore(%run_scoped3A_124 : memref<!tpu.dma_semaphore, #tpu.memory_space<semaphore_mem>>)
      %dma_wait3A = arith.constant 0 : i32
      %dma_wait3A_128 = tpu.memref_slice %arg3[%mul3A_32, %dma_wait3A] : memref<128x128xi32, #tpu.memory_space<hbm>> -> memref<32x128xi32, #tpu.memory_space<hbm>>
      %dma_wait3A_129 = arith.constant 0 : i32
      %dma_wait3A_130 = tpu.memref_slice %arg3[%mul3A_32, %dma_wait3A_129] : memref<128x128xi32, #tpu.memory_space<hbm>> -> memref<32x128xi32, #tpu.memory_space<hbm>>
      tpu.wait_dma2 semaphore(%run_scoped3A_124 : memref<!tpu.dma_semaphore, #tpu.memory_space<semaphore_mem>>) src(%dma_wait3A_130 : memref<32x128xi32, #tpu.memory_space<hbm>>) dst(%arg6 : memref<32x128xi32, #tpu.memory_space<vmem>>)
      tpu.yield
    }) : () -> ()
    %mul3A_33 = arith.constant 32 : i32
    %mul3A_34 = arith.muli %select_n3A_30, %mul3A_33 : i32
    %mul3A_35 = arith.constant 3 : i32
    %mul3A_36 = arith.muli %mul3A_34, %mul3A_35 : i32
    "tpu.region"() ({
      %run_scoped3A_124 = tpu.sem_alloc : memref<!tpu.dma_semaphore, #tpu.memory_space<semaphore_mem>>
      %dma_start3A = arith.constant 0 : i32
      %dma_start3A_125 = tpu.memref_slice %arg2[%select_n3A, %dma_start3A, %mul3A_36] : memref<8x128x384xf32, #tpu.memory_space<hbm>> -> memref<1x128x96xf32, #tpu.memory_space<hbm>>
      %dma_start3A_126 = tpu.memref_squeeze %dma_start3A_125 : memref<1x128x96xf32, #tpu.memory_space<hbm>> -> memref<128x96xf32, #tpu.memory_space<hbm>>
      %dma_start3A_127 = arith.constant 0 : i32
      %dma_start3A_128 = tpu.memref_slice %arg2[%select_n3A, %dma_start3A_127, %mul3A_36] : memref<8x128x384xf32, #tpu.memory_space<hbm>> -> memref<1x128x96xf32, #tpu.memory_space<hbm>>
      %dma_start3A_129 = tpu.memref_squeeze %dma_start3A_128 : memref<1x128x96xf32, #tpu.memory_space<hbm>> -> memref<128x96xf32, #tpu.memory_space<hbm>>
      tpu.enqueue_dma source(%dma_start3A_129 : memref<128x96xf32, #tpu.memory_space<hbm>>) target(%arg5 : memref<128x96xf32, #tpu.memory_space<vmem>>) target_semaphore(%run_scoped3A_124 : memref<!tpu.dma_semaphore, #tpu.memory_space<semaphore_mem>>)
      %dma_wait3A = arith.constant 0 : i32
      %dma_wait3A_130 = tpu.memref_slice %arg2[%select_n3A, %dma_wait3A, %mul3A_36] : memref<8x128x384xf32, #tpu.memory_space<hbm>> -> memref<1x128x96xf32, #tpu.memory_space<hbm>>
      %dma_wait3A_131 = tpu.memref_squeeze %dma_wait3A_130 : memref<1x128x96xf32, #tpu.memory_space<hbm>> -> memref<128x96xf32, #tpu.memory_space<hbm>>
      %dma_wait3A_132 = arith.constant 0 : i32
      %dma_wait3A_133 = tpu.memref_slice %arg2[%select_n3A, %dma_wait3A_132, %mul3A_36] : memref<8x128x384xf32, #tpu.memory_space<hbm>> -> memref<1x128x96xf32, #tpu.memory_space<hbm>>
      %dma_wait3A_134 = tpu.memref_squeeze %dma_wait3A_133 : memref<1x128x96xf32, #tpu.memory_space<hbm>> -> memref<128x96xf32, #tpu.memory_space<hbm>>
      tpu.wait_dma2 semaphore(%run_scoped3A_124 : memref<!tpu.dma_semaphore, #tpu.memory_space<semaphore_mem>>) src(%dma_wait3A_134 : memref<128x96xf32, #tpu.memory_space<hbm>>) dst(%arg5 : memref<128x96xf32, #tpu.memory_space<vmem>>)
      tpu.yield
    }) : () -> ()
    %iota3A = tpu.iota {dimensions = array<i32: 0>} : vector<16xi32>
    %add3A_37 = arith.constant 0 : i32
    %add3A_38 = vector.broadcast %add3A_37 : i32 to vector<16xi32>
    %add3A_39 = arith.addi %add3A_38, %iota3A : vector<16xi32>
    %iota3A_40 = tpu.iota {dimensions = array<i32: 0>} : vector<16xi32>
    %add3A_41 = arith.constant 16 : i32
    %add3A_42 = vector.broadcast %add3A_41 : i32 to vector<16xi32>
    %add3A_43 = arith.addi %add3A_42, %iota3A_40 : vector<16xi32>
    %mul3A_44 = arith.constant 3 : i32
    %mul3A_45 = vector.broadcast %mul3A_44 : i32 to vector<16xi32>
    %mul3A_46 = arith.muli %add3A_39, %mul3A_45 : vector<16xi32>
    %add3A_47 = arith.constant 0 : i32
    %add3A_48 = vector.broadcast %add3A_47 : i32 to vector<16xi32>
    %add3A_49 = arith.addi %mul3A_46, %add3A_48 : vector<16xi32>
    %mul3A_50 = arith.constant 3 : i32
    %mul3A_51 = vector.broadcast %mul3A_50 : i32 to vector<16xi32>
    %mul3A_52 = arith.muli %add3A_39, %mul3A_51 : vector<16xi32>
    %add3A_53 = arith.constant 1 : i32
    %add3A_54 = vector.broadcast %add3A_53 : i32 to vector<16xi32>
    %add3A_55 = arith.addi %mul3A_52, %add3A_54 : vector<16xi32>
    %mul3A_56 = arith.constant 3 : i32
    %mul3A_57 = vector.broadcast %mul3A_56 : i32 to vector<16xi32>
    %mul3A_58 = arith.muli %add3A_39, %mul3A_57 : vector<16xi32>
    %add3A_59 = arith.constant 2 : i32
    %add3A_60 = vector.broadcast %add3A_59 : i32 to vector<16xi32>
    %add3A_61 = arith.addi %mul3A_58, %add3A_60 : vector<16xi32>
    %mul3A_62 = arith.constant 3 : i32
    %mul3A_63 = vector.broadcast %mul3A_62 : i32 to vector<16xi32>
    %mul3A_64 = arith.muli %add3A_43, %mul3A_63 : vector<16xi32>
    %add3A_65 = arith.constant 0 : i32
    %add3A_66 = vector.broadcast %add3A_65 : i32 to vector<16xi32>
    %add3A_67 = arith.addi %mul3A_64, %add3A_66 : vector<16xi32>
    %mul3A_68 = arith.constant 3 : i32
    %mul3A_69 = vector.broadcast %mul3A_68 : i32 to vector<16xi32>
    %mul3A_70 = arith.muli %add3A_43, %mul3A_69 : vector<16xi32>
    %add3A_71 = arith.constant 1 : i32
    %add3A_72 = vector.broadcast %add3A_71 : i32 to vector<16xi32>
    %add3A_73 = arith.addi %mul3A_70, %add3A_72 : vector<16xi32>
    %mul3A_74 = arith.constant 3 : i32
    %mul3A_75 = vector.broadcast %mul3A_74 : i32 to vector<16xi32>
    %mul3A_76 = arith.muli %add3A_43, %mul3A_75 : vector<16xi32>
    %add3A_77 = arith.constant 2 : i32
    %add3A_78 = vector.broadcast %add3A_77 : i32 to vector<16xi32>
    %add3A_79 = arith.addi %mul3A_76, %add3A_78 : vector<16xi32>
    %broadcast_in_dim3A = arith.constant 0.000000e+00 : f32
    %broadcast_in_dim3A_80 = vector.broadcast %broadcast_in_dim3A : f32 to vector<16xf32>
    %broadcast_in_dim3A_81 = arith.constant 0.000000e+00 : f32
    %broadcast_in_dim3A_82 = vector.broadcast %broadcast_in_dim3A_81 : f32 to vector<16xf32>
    %broadcast_in_dim3A_83 = arith.constant 0 : i32
    %broadcast_in_dim3A_84 = vector.broadcast %broadcast_in_dim3A_83 : i32 to vector<16xi32>
    %scan3A = arith.constant 0 : i32
    %scan3A_85 = arith.constant 128 : i32
    %scan3A_86 = arith.addi %scan3A, %scan3A_85 : i32
    %scan3A_87 = arith.constant 4 : i32
    %scan3A_88:7 = scf.for %scan3A_124 = %scan3A to %scan3A_86 step %scan3A_87 iter_args(%scan3A_125 = %broadcast_in_dim3A_80, %scan3A_126 = %broadcast_in_dim3A_80, %scan3A_127 = %broadcast_in_dim3A_80, %scan3A_128 = %broadcast_in_dim3A_80, %scan3A_129 = %broadcast_in_dim3A_80, %scan3A_130 = %broadcast_in_dim3A_80, %scan3A_131 = %broadcast_in_dim3A_84) -> (vector<16xf32>, vector<16xf32>, vector<16xf32>, vector<16xf32>, vector<16xf32>, vector<16xf32>, vector<16xi32>)  : i32 {
      %gather3A = tpu.vector_load_idx %arg6[%add3A_39, %scan3A_131] : memref<32x128xi32, #tpu.memory_space<vmem>>[vector<16xi32>, vector<16xi32>], vector<16xi32>,
      %gt3A = arith.constant 0 : i32
      %gt3A_132 = vector.broadcast %gt3A : i32 to vector<16xi32>
      %gt3A_133 = arith.cmpi sgt, %gather3A, %gt3A_132 : vector<16xi32>
      %gather3A_134 = tpu.vector_load_idx %arg5[%scan3A_131, %add3A_49] : memref<128x96xf32, #tpu.memory_space<vmem>>[vector<16xi32>, vector<16xi32>], vector<16xf32>,
      %select_n3A_135 = arith.select %gt3A_133, %gather3A_134, %broadcast_in_dim3A_82 : vector<16xi1>, vector<16xf32>
      %add3A_136 = arith.addf %scan3A_125, %select_n3A_135 : vector<16xf32>
      %gather3A_137 = tpu.vector_load_idx %arg5[%scan3A_131, %add3A_55] : memref<128x96xf32, #tpu.memory_space<vmem>>[vector<16xi32>, vector<16xi32>], vector<16xf32>,
      %select_n3A_138 = arith.select %gt3A_133, %gather3A_137, %broadcast_in_dim3A_82 : vector<16xi1>, vector<16xf32>
      %add3A_139 = arith.addf %scan3A_126, %select_n3A_138 : vector<16xf32>
      %gather3A_140 = tpu.vector_load_idx %arg5[%scan3A_131, %add3A_61] : memref<128x96xf32, #tpu.memory_space<vmem>>[vector<16xi32>, vector<16xi32>], vector<16xf32>,
      %select_n3A_141 = arith.select %gt3A_133, %gather3A_140, %broadcast_in_dim3A_82 : vector<16xi1>, vector<16xf32>
      %add3A_142 = arith.addf %scan3A_127, %select_n3A_141 : vector<16xf32>
      %gather3A_143 = tpu.vector_load_idx %arg6[%add3A_43, %scan3A_131] : memref<32x128xi32, #tpu.memory_space<vmem>>[vector<16xi32>, vector<16xi32>], vector<16xi32>,
      %gt3A_144 = arith.constant 0 : i32
      %gt3A_145 = vector.broadcast %gt3A_144 : i32 to vector<16xi32>
      %gt3A_146 = arith.cmpi sgt, %gather3A_143, %gt3A_145 : vector<16xi32>
      %gather3A_147 = tpu.vector_load_idx %arg5[%scan3A_131, %add3A_67] : memref<128x96xf32, #tpu.memory_space<vmem>>[vector<16xi32>, vector<16xi32>], vector<16xf32>,
      %select_n3A_148 = arith.select %gt3A_146, %gather3A_147, %broadcast_in_dim3A_82 : vector<16xi1>, vector<16xf32>
      %add3A_149 = arith.addf %scan3A_128, %select_n3A_148 : vector<16xf32>
      %gather3A_150 = tpu.vector_load_idx %arg5[%scan3A_131, %add3A_73] : memref<128x96xf32, #tpu.memory_space<vmem>>[vector<16xi32>, vector<16xi32>], vector<16xf32>,
      %select_n3A_151 = arith.select %gt3A_146, %gather3A_150, %broadcast_in_dim3A_82 : vector<16xi1>, vector<16xf32>
      %add3A_152 = arith.addf %scan3A_129, %select_n3A_151 : vector<16xf32>
      %gather3A_153 = tpu.vector_load_idx %arg5[%scan3A_131, %add3A_79] : memref<128x96xf32, #tpu.memory_space<vmem>>[vector<16xi32>, vector<16xi32>], vector<16xf32>,
      %select_n3A_154 = arith.select %gt3A_146, %gather3A_153, %broadcast_in_dim3A_82 : vector<16xi1>, vector<16xf32>
      %add3A_155 = arith.addf %scan3A_130, %select_n3A_154 : vector<16xf32>
      %add3A_156 = arith.constant 1 : i32
      %add3A_157 = vector.broadcast %add3A_156 : i32 to vector<16xi32>
      %add3A_158 = arith.addi %scan3A_131, %add3A_157 : vector<16xi32>
      %scan3A_159 = arith.constant 1 : i32
      %scan3A_160 = arith.addi %scan3A_124, %scan3A_159 : i32
      %gather3A_161 = tpu.vector_load_idx %arg6[%add3A_39, %add3A_158] : memref<32x128xi32, #tpu.memory_space<vmem>>[vector<16xi32>, vector<16xi32>], vector<16xi32>,
      %gt3A_162 = arith.constant 0 : i32
      %gt3A_163 = vector.broadcast %gt3A_162 : i32 to vector<16xi32>
      %gt3A_164 = arith.cmpi sgt, %gather3A_161, %gt3A_163 : vector<16xi32>
      %gather3A_165 = tpu.vector_load_idx %arg5[%add3A_158, %add3A_49] : memref<128x96xf32, #tpu.memory_space<vmem>>[vector<16xi32>, vector<16xi32>], vector<16xf32>,
      %select_n3A_166 = arith.select %gt3A_164, %gather3A_165, %broadcast_in_dim3A_82 : vector<16xi1>, vector<16xf32>
      %add3A_167 = arith.addf %add3A_136, %select_n3A_166 : vector<16xf32>
      %gather3A_168 = tpu.vector_load_idx %arg5[%add3A_158, %add3A_55] : memref<128x96xf32, #tpu.memory_space<vmem>>[vector<16xi32>, vector<16xi32>], vector<16xf32>,
      %select_n3A_169 = arith.select %gt3A_164, %gather3A_168, %broadcast_in_dim3A_82 : vector<16xi1>, vector<16xf32>
      %add3A_170 = arith.addf %add3A_139, %select_n3A_169 : vector<16xf32>
      %gather3A_171 = tpu.vector_load_idx %arg5[%add3A_158, %add3A_61] : memref<128x96xf32, #tpu.memory_space<vmem>>[vector<16xi32>, vector<16xi32>], vector<16xf32>,
      %select_n3A_172 = arith.select %gt3A_164, %gather3A_171, %broadcast_in_dim3A_82 : vector<16xi1>, vector<16xf32>
      %add3A_173 = arith.addf %add3A_142, %select_n3A_172 : vector<16xf32>
      %gather3A_174 = tpu.vector_load_idx %arg6[%add3A_43, %add3A_158] : memref<32x128xi32, #tpu.memory_space<vmem>>[vector<16xi32>, vector<16xi32>], vector<16xi32>,
      %gt3A_175 = arith.constant 0 : i32
      %gt3A_176 = vector.broadcast %gt3A_175 : i32 to vector<16xi32>
      %gt3A_177 = arith.cmpi sgt, %gather3A_174, %gt3A_176 : vector<16xi32>
      %gather3A_178 = tpu.vector_load_idx %arg5[%add3A_158, %add3A_67] : memref<128x96xf32, #tpu.memory_space<vmem>>[vector<16xi32>, vector<16xi32>], vector<16xf32>,
      %select_n3A_179 = arith.select %gt3A_177, %gather3A_178, %broadcast_in_dim3A_82 : vector<16xi1>, vector<16xf32>
      %add3A_180 = arith.addf %add3A_149, %select_n3A_179 : vector<16xf32>
      %gather3A_181 = tpu.vector_load_idx %arg5[%add3A_158, %add3A_73] : memref<128x96xf32, #tpu.memory_space<vmem>>[vector<16xi32>, vector<16xi32>], vector<16xf32>,
      %select_n3A_182 = arith.select %gt3A_177, %gather3A_181, %broadcast_in_dim3A_82 : vector<16xi1>, vector<16xf32>
      %add3A_183 = arith.addf %add3A_152, %select_n3A_182 : vector<16xf32>
      %gather3A_184 = tpu.vector_load_idx %arg5[%add3A_158, %add3A_79] : memref<128x96xf32, #tpu.memory_space<vmem>>[vector<16xi32>, vector<16xi32>], vector<16xf32>,
      %select_n3A_185 = arith.select %gt3A_177, %gather3A_184, %broadcast_in_dim3A_82 : vector<16xi1>, vector<16xf32>
      %add3A_186 = arith.addf %add3A_155, %select_n3A_185 : vector<16xf32>
      %add3A_187 = arith.constant 1 : i32
      %add3A_188 = vector.broadcast %add3A_187 : i32 to vector<16xi32>
      %add3A_189 = arith.addi %add3A_158, %add3A_188 : vector<16xi32>
      %scan3A_190 = arith.constant 2 : i32
      %scan3A_191 = arith.addi %scan3A_124, %scan3A_190 : i32
      %gather3A_192 = tpu.vector_load_idx %arg6[%add3A_39, %add3A_189] : memref<32x128xi32, #tpu.memory_space<vmem>>[vector<16xi32>, vector<16xi32>], vector<16xi32>,
      %gt3A_193 = arith.constant 0 : i32
      %gt3A_194 = vector.broadcast %gt3A_193 : i32 to vector<16xi32>
      %gt3A_195 = arith.cmpi sgt, %gather3A_192, %gt3A_194 : vector<16xi32>
      %gather3A_196 = tpu.vector_load_idx %arg5[%add3A_189, %add3A_49] : memref<128x96xf32, #tpu.memory_space<vmem>>[vector<16xi32>, vector<16xi32>], vector<16xf32>,
      %select_n3A_197 = arith.select %gt3A_195, %gather3A_196, %broadcast_in_dim3A_82 : vector<16xi1>, vector<16xf32>
      %add3A_198 = arith.addf %add3A_167, %select_n3A_197 : vector<16xf32>
      %gather3A_199 = tpu.vector_load_idx %arg5[%add3A_189, %add3A_55] : memref<128x96xf32, #tpu.memory_space<vmem>>[vector<16xi32>, vector<16xi32>], vector<16xf32>,
      %select_n3A_200 = arith.select %gt3A_195, %gather3A_199, %broadcast_in_dim3A_82 : vector<16xi1>, vector<16xf32>
      %add3A_201 = arith.addf %add3A_170, %select_n3A_200 : vector<16xf32>
      %gather3A_202 = tpu.vector_load_idx %arg5[%add3A_189, %add3A_61] : memref<128x96xf32, #tpu.memory_space<vmem>>[vector<16xi32>, vector<16xi32>], vector<16xf32>,
      %select_n3A_203 = arith.select %gt3A_195, %gather3A_202, %broadcast_in_dim3A_82 : vector<16xi1>, vector<16xf32>
      %add3A_204 = arith.addf %add3A_173, %select_n3A_203 : vector<16xf32>
      %gather3A_205 = tpu.vector_load_idx %arg6[%add3A_43, %add3A_189] : memref<32x128xi32, #tpu.memory_space<vmem>>[vector<16xi32>, vector<16xi32>], vector<16xi32>,
      %gt3A_206 = arith.constant 0 : i32
      %gt3A_207 = vector.broadcast %gt3A_206 : i32 to vector<16xi32>
      %gt3A_208 = arith.cmpi sgt, %gather3A_205, %gt3A_207 : vector<16xi32>
      %gather3A_209 = tpu.vector_load_idx %arg5[%add3A_189, %add3A_67] : memref<128x96xf32, #tpu.memory_space<vmem>>[vector<16xi32>, vector<16xi32>], vector<16xf32>,
      %select_n3A_210 = arith.select %gt3A_208, %gather3A_209, %broadcast_in_dim3A_82 : vector<16xi1>, vector<16xf32>
      %add3A_211 = arith.addf %add3A_180, %select_n3A_210 : vector<16xf32>
      %gather3A_212 = tpu.vector_load_idx %arg5[%add3A_189, %add3A_73] : memref<128x96xf32, #tpu.memory_space<vmem>>[vector<16xi32>, vector<16xi32>], vector<16xf32>,
      %select_n3A_213 = arith.select %gt3A_208, %gather3A_212, %broadcast_in_dim3A_82 : vector<16xi1>, vector<16xf32>
      %add3A_214 = arith.addf %add3A_183, %select_n3A_213 : vector<16xf32>
      %gather3A_215 = tpu.vector_load_idx %arg5[%add3A_189, %add3A_79] : memref<128x96xf32, #tpu.memory_space<vmem>>[vector<16xi32>, vector<16xi32>], vector<16xf32>,
      %select_n3A_216 = arith.select %gt3A_208, %gather3A_215, %broadcast_in_dim3A_82 : vector<16xi1>, vector<16xf32>
      %add3A_217 = arith.addf %add3A_186, %select_n3A_216 : vector<16xf32>
      %add3A_218 = arith.constant 1 : i32
      %add3A_219 = vector.broadcast %add3A_218 : i32 to vector<16xi32>
      %add3A_220 = arith.addi %add3A_189, %add3A_219 : vector<16xi32>
      %scan3A_221 = arith.constant 3 : i32
      %scan3A_222 = arith.addi %scan3A_124, %scan3A_221 : i32
      %gather3A_223 = tpu.vector_load_idx %arg6[%add3A_39, %add3A_220] : memref<32x128xi32, #tpu.memory_space<vmem>>[vector<16xi32>, vector<16xi32>], vector<16xi32>,
      %gt3A_224 = arith.constant 0 : i32
      %gt3A_225 = vector.broadcast %gt3A_224 : i32 to vector<16xi32>
      %gt3A_226 = arith.cmpi sgt, %gather3A_223, %gt3A_225 : vector<16xi32>
      %gather3A_227 = tpu.vector_load_idx %arg5[%add3A_220, %add3A_49] : memref<128x96xf32, #tpu.memory_space<vmem>>[vector<16xi32>, vector<16xi32>], vector<16xf32>,
      %select_n3A_228 = arith.select %gt3A_226, %gather3A_227, %broadcast_in_dim3A_82 : vector<16xi1>, vector<16xf32>
      %add3A_229 = arith.addf %add3A_198, %select_n3A_228 : vector<16xf32>
      %gather3A_230 = tpu.vector_load_idx %arg5[%add3A_220, %add3A_55] : memref<128x96xf32, #tpu.memory_space<vmem>>[vector<16xi32>, vector<16xi32>], vector<16xf32>,
      %select_n3A_231 = arith.select %gt3A_226, %gather3A_230, %broadcast_in_dim3A_82 : vector<16xi1>, vector<16xf32>
      %add3A_232 = arith.addf %add3A_201, %select_n3A_231 : vector<16xf32>
      %gather3A_233 = tpu.vector_load_idx %arg5[%add3A_220, %add3A_61] : memref<128x96xf32, #tpu.memory_space<vmem>>[vector<16xi32>, vector<16xi32>], vector<16xf32>,
      %select_n3A_234 = arith.select %gt3A_226, %gather3A_233, %broadcast_in_dim3A_82 : vector<16xi1>, vector<16xf32>
      %add3A_235 = arith.addf %add3A_204, %select_n3A_234 : vector<16xf32>
      %gather3A_236 = tpu.vector_load_idx %arg6[%add3A_43, %add3A_220] : memref<32x128xi32, #tpu.memory_space<vmem>>[vector<16xi32>, vector<16xi32>], vector<16xi32>,
      %gt3A_237 = arith.constant 0 : i32
      %gt3A_238 = vector.broadcast %gt3A_237 : i32 to vector<16xi32>
      %gt3A_239 = arith.cmpi sgt, %gather3A_236, %gt3A_238 : vector<16xi32>
      %gather3A_240 = tpu.vector_load_idx %arg5[%add3A_220, %add3A_67] : memref<128x96xf32, #tpu.memory_space<vmem>>[vector<16xi32>, vector<16xi32>], vector<16xf32>,
      %select_n3A_241 = arith.select %gt3A_239, %gather3A_240, %broadcast_in_dim3A_82 : vector<16xi1>, vector<16xf32>
      %add3A_242 = arith.addf %add3A_211, %select_n3A_241 : vector<16xf32>
      %gather3A_243 = tpu.vector_load_idx %arg5[%add3A_220, %add3A_73] : memref<128x96xf32, #tpu.memory_space<vmem>>[vector<16xi32>, vector<16xi32>], vector<16xf32>,
      %select_n3A_244 = arith.select %gt3A_239, %gather3A_243, %broadcast_in_dim3A_82 : vector<16xi1>, vector<16xf32>
      %add3A_245 = arith.addf %add3A_214, %select_n3A_244 : vector<16xf32>
      %gather3A_246 = tpu.vector_load_idx %arg5[%add3A_220, %add3A_79] : memref<128x96xf32, #tpu.memory_space<vmem>>[vector<16xi32>, vector<16xi32>], vector<16xf32>,
      %select_n3A_247 = arith.select %gt3A_239, %gather3A_246, %broadcast_in_dim3A_82 : vector<16xi1>, vector<16xf32>
      %add3A_248 = arith.addf %add3A_217, %select_n3A_247 : vector<16xf32>
      %add3A_249 = arith.constant 1 : i32
      %add3A_250 = vector.broadcast %add3A_249 : i32 to vector<16xi32>
      %add3A_251 = arith.addi %add3A_220, %add3A_250 : vector<16xi32>
      scf.yield %add3A_229, %add3A_232, %add3A_235, %add3A_242, %add3A_245, %add3A_248, %add3A_251 : vector<16xf32>, vector<16xf32>, vector<16xf32>, vector<16xf32>, vector<16xf32>, vector<16xf32>, vector<16xi32>
    }
    %scan3A_89 = arith.constant 128 : i32
    %swap3A = arith.constant 0 : i32
    %swap3A_90 = arith.index_cast %swap3A : i32 to index
    %swap3A_91 = arith.constant 0 : index
    %swap3A_92 = tpu.vector_load %arg7[%swap3A_90, %swap3A_91] {strides = array<i32>} : memref<3x32xf32, #tpu.memory_space<vmem>>, vector<16xf32>,
    tpu.vector_store %arg7[%swap3A_90, %swap3A_91], %scan3A_88#0 {strides = array<i32>} : memref<3x32xf32, #tpu.memory_space<vmem>>, vector<16xf32>,
    %swap3A_93 = arith.constant 1 : i32
    %swap3A_94 = arith.index_cast %swap3A_93 : i32 to index
    %swap3A_95 = arith.constant 0 : index
    %swap3A_96 = tpu.vector_load %arg7[%swap3A_94, %swap3A_95] {strides = array<i32>} : memref<3x32xf32, #tpu.memory_space<vmem>>, vector<16xf32>,
    tpu.vector_store %arg7[%swap3A_94, %swap3A_95], %scan3A_88#1 {strides = array<i32>} : memref<3x32xf32, #tpu.memory_space<vmem>>, vector<16xf32>,
    %swap3A_97 = arith.constant 2 : i32
    %swap3A_98 = arith.index_cast %swap3A_97 : i32 to index
    %swap3A_99 = arith.constant 0 : index
    %swap3A_100 = tpu.vector_load %arg7[%swap3A_98, %swap3A_99] {strides = array<i32>} : memref<3x32xf32, #tpu.memory_space<vmem>>, vector<16xf32>,
    tpu.vector_store %arg7[%swap3A_98, %swap3A_99], %scan3A_88#2 {strides = array<i32>} : memref<3x32xf32, #tpu.memory_space<vmem>>, vector<16xf32>,
    %swap3A_101 = arith.constant 0 : i32
    %swap3A_102 = arith.index_cast %swap3A_101 : i32 to index
    %swap3A_103 = arith.constant 16 : index
    %swap3A_104 = tpu.vector_load %arg7[%swap3A_102, %swap3A_103] {strides = array<i32>} : memref<3x32xf32, #tpu.memory_space<vmem>>, vector<16xf32>,
    tpu.vector_store %arg7[%swap3A_102, %swap3A_103], %scan3A_88#3 {strides = array<i32>} : memref<3x32xf32, #tpu.memory_space<vmem>>, vector<16xf32>,
    %swap3A_105 = arith.constant 1 : i32
    %swap3A_106 = arith.index_cast %swap3A_105 : i32 to index
    %swap3A_107 = arith.constant 16 : index
    %swap3A_108 = tpu.vector_load %arg7[%swap3A_106, %swap3A_107] {strides = array<i32>} : memref<3x32xf32, #tpu.memory_space<vmem>>, vector<16xf32>,
    tpu.vector_store %arg7[%swap3A_106, %swap3A_107], %scan3A_88#4 {strides = array<i32>} : memref<3x32xf32, #tpu.memory_space<vmem>>, vector<16xf32>,
    %swap3A_109 = arith.constant 2 : i32
    %swap3A_110 = arith.index_cast %swap3A_109 : i32 to index
    %swap3A_111 = arith.constant 16 : index
    %swap3A_112 = tpu.vector_load %arg7[%swap3A_110, %swap3A_111] {strides = array<i32>} : memref<3x32xf32, #tpu.memory_space<vmem>>, vector<16xf32>,
    tpu.vector_store %arg7[%swap3A_110, %swap3A_111], %scan3A_88#5 {strides = array<i32>} : memref<3x32xf32, #tpu.memory_space<vmem>>, vector<16xf32>,
    %mul3A_113 = arith.constant 32 : i32
    %mul3A_114 = arith.muli %select_n3A_30, %mul3A_113 : i32
    %run_scoped3A = arith.constant 0 : i32
    %run_scoped3A_115 = arith.constant 0 : i32
    "tpu.region"() ({
      %run_scoped3A_124 = tpu.sem_alloc : memref<!tpu.dma_semaphore, #tpu.memory_space<semaphore_mem>>
      %dma_start3A = arith.constant 0 : i32
      %dma_start3A_125 = tpu.memref_slice %arg7[%run_scoped3A, %dma_start3A] : memref<3x32xf32, #tpu.memory_space<vmem>> -> memref<1x32xf32, #tpu.memory_space<vmem>>
      %dma_start3A_126 = tpu.memref_squeeze %dma_start3A_125 : memref<1x32xf32, #tpu.memory_space<vmem>> -> memref<32xf32, #tpu.memory_space<vmem>>
      %dma_start3A_127 = tpu.memref_slice %arg4[%select_n3A, %run_scoped3A_115, %mul3A_114] : memref<8x3x128xf32, #tpu.memory_space<hbm>> -> memref<1x1x32xf32, #tpu.memory_space<hbm>>
      %dma_start3A_128 = tpu.memref_squeeze %dma_start3A_127 : memref<1x1x32xf32, #tpu.memory_space<hbm>> -> memref<32xf32, #tpu.memory_space<hbm>>
      %dma_start3A_129 = tpu.memref_slice %arg4[%select_n3A, %run_scoped3A_115, %mul3A_114] : memref<8x3x128xf32, #tpu.memory_space<hbm>> -> memref<1x1x32xf32, #tpu.memory_space<hbm>>
      %dma_start3A_130 = tpu.memref_squeeze %dma_start3A_129 : memref<1x1x32xf32, #tpu.memory_space<hbm>> -> memref<32xf32, #tpu.memory_space<hbm>>
      %dma_start3A_131 = arith.constant 0 : i32
      %dma_start3A_132 = tpu.memref_slice %arg7[%run_scoped3A, %dma_start3A_131] : memref<3x32xf32, #tpu.memory_space<vmem>> -> memref<1x32xf32, #tpu.memory_space<vmem>>
      %dma_start3A_133 = tpu.memref_squeeze %dma_start3A_132 : memref<1x32xf32, #tpu.memory_space<vmem>> -> memref<32xf32, #tpu.memory_space<vmem>>
      tpu.enqueue_dma source(%dma_start3A_133 : memref<32xf32, #tpu.memory_space<vmem>>) target(%dma_start3A_130 : memref<32xf32, #tpu.memory_space<hbm>>) target_semaphore(%run_scoped3A_124 : memref<!tpu.dma_semaphore, #tpu.memory_space<semaphore_mem>>)
      %dma_wait3A = arith.constant 0 : i32
      %dma_wait3A_134 = tpu.memref_slice %arg7[%run_scoped3A, %dma_wait3A] : memref<3x32xf32, #tpu.memory_space<vmem>> -> memref<1x32xf32, #tpu.memory_space<vmem>>
      %dma_wait3A_135 = tpu.memref_squeeze %dma_wait3A_134 : memref<1x32xf32, #tpu.memory_space<vmem>> -> memref<32xf32, #tpu.memory_space<vmem>>
      %dma_wait3A_136 = tpu.memref_slice %arg4[%select_n3A, %run_scoped3A_115, %mul3A_114] : memref<8x3x128xf32, #tpu.memory_space<hbm>> -> memref<1x1x32xf32, #tpu.memory_space<hbm>>
      %dma_wait3A_137 = tpu.memref_squeeze %dma_wait3A_136 : memref<1x1x32xf32, #tpu.memory_space<hbm>> -> memref<32xf32, #tpu.memory_space<hbm>>
      %dma_wait3A_138 = tpu.memref_slice %arg4[%select_n3A, %run_scoped3A_115, %mul3A_114] : memref<8x3x128xf32, #tpu.memory_space<hbm>> -> memref<1x1x32xf32, #tpu.memory_space<hbm>>
      %dma_wait3A_139 = tpu.memref_squeeze %dma_wait3A_138 : memref<1x1x32xf32, #tpu.memory_space<hbm>> -> memref<32xf32, #tpu.memory_space<hbm>>
      %dma_wait3A_140 = arith.constant 0 : i32
      %dma_wait3A_141 = tpu.memref_slice %arg7[%run_scoped3A, %dma_wait3A_140] : memref<3x32xf32, #tpu.memory_space<vmem>> -> memref<1x32xf32, #tpu.memory_space<vmem>>
      %dma_wait3A_142 = tpu.memref_squeeze %dma_wait3A_141 : memref<1x32xf32, #tpu.memory_space<vmem>> -> memref<32xf32, #tpu.memory_space<vmem>>
      tpu.wait_dma2 semaphore(%run_scoped3A_124 : memref<!tpu.dma_semaphore, #tpu.memory_space<semaphore_mem>>) src(%dma_wait3A_142 : memref<32xf32, #tpu.memory_space<vmem>>) dst(%dma_wait3A_139 : memref<32xf32, #tpu.memory_space<hbm>>)
      tpu.yield
    }) : () -> ()
    %mul3A_116 = arith.constant 32 : i32
    %mul3A_117 = arith.muli %select_n3A_30, %mul3A_116 : i32
    %run_scoped3A_118 = arith.constant 1 : i32
    %run_scoped3A_119 = arith.constant 1 : i32
    "tpu.region"() ({
      %run_scoped3A_124 = tpu.sem_alloc : memref<!tpu.dma_semaphore, #tpu.memory_space<semaphore_mem>>
      %dma_start3A = arith.constant 0 : i32
      %dma_start3A_125 = tpu.memref_slice %arg7[%run_scoped3A_118, %dma_start3A] : memref<3x32xf32, #tpu.memory_space<vmem>> -> memref<1x32xf32, #tpu.memory_space<vmem>>
      %dma_start3A_126 = tpu.memref_squeeze %dma_start3A_125 : memref<1x32xf32, #tpu.memory_space<vmem>> -> memref<32xf32, #tpu.memory_space<vmem>>
      %dma_start3A_127 = tpu.memref_slice %arg4[%select_n3A, %run_scoped3A_119, %mul3A_117] : memref<8x3x128xf32, #tpu.memory_space<hbm>> -> memref<1x1x32xf32, #tpu.memory_space<hbm>>
      %dma_start3A_128 = tpu.memref_squeeze %dma_start3A_127 : memref<1x1x32xf32, #tpu.memory_space<hbm>> -> memref<32xf32, #tpu.memory_space<hbm>>
      %dma_start3A_129 = tpu.memref_slice %arg4[%select_n3A, %run_scoped3A_119, %mul3A_117] : memref<8x3x128xf32, #tpu.memory_space<hbm>> -> memref<1x1x32xf32, #tpu.memory_space<hbm>>
      %dma_start3A_130 = tpu.memref_squeeze %dma_start3A_129 : memref<1x1x32xf32, #tpu.memory_space<hbm>> -> memref<32xf32, #tpu.memory_space<hbm>>
      %dma_start3A_131 = arith.constant 0 : i32
      %dma_start3A_132 = tpu.memref_slice %arg7[%run_scoped3A_118, %dma_start3A_131] : memref<3x32xf32, #tpu.memory_space<vmem>> -> memref<1x32xf32, #tpu.memory_space<vmem>>
      %dma_start3A_133 = tpu.memref_squeeze %dma_start3A_132 : memref<1x32xf32, #tpu.memory_space<vmem>> -> memref<32xf32, #tpu.memory_space<vmem>>
      tpu.enqueue_dma source(%dma_start3A_133 : memref<32xf32, #tpu.memory_space<vmem>>) target(%dma_start3A_130 : memref<32xf32, #tpu.memory_space<hbm>>) target_semaphore(%run_scoped3A_124 : memref<!tpu.dma_semaphore, #tpu.memory_space<semaphore_mem>>)
      %dma_wait3A = arith.constant 0 : i32
      %dma_wait3A_134 = tpu.memref_slice %arg7[%run_scoped3A_118, %dma_wait3A] : memref<3x32xf32, #tpu.memory_space<vmem>> -> memref<1x32xf32, #tpu.memory_space<vmem>>
      %dma_wait3A_135 = tpu.memref_squeeze %dma_wait3A_134 : memref<1x32xf32, #tpu.memory_space<vmem>> -> memref<32xf32, #tpu.memory_space<vmem>>
      %dma_wait3A_136 = tpu.memref_slice %arg4[%select_n3A, %run_scoped3A_119, %mul3A_117] : memref<8x3x128xf32, #tpu.memory_space<hbm>> -> memref<1x1x32xf32, #tpu.memory_space<hbm>>
      %dma_wait3A_137 = tpu.memref_squeeze %dma_wait3A_136 : memref<1x1x32xf32, #tpu.memory_space<hbm>> -> memref<32xf32, #tpu.memory_space<hbm>>
      %dma_wait3A_138 = tpu.memref_slice %arg4[%select_n3A, %run_scoped3A_119, %mul3A_117] : memref<8x3x128xf32, #tpu.memory_space<hbm>> -> memref<1x1x32xf32, #tpu.memory_space<hbm>>
      %dma_wait3A_139 = tpu.memref_squeeze %dma_wait3A_138 : memref<1x1x32xf32, #tpu.memory_space<hbm>> -> memref<32xf32, #tpu.memory_space<hbm>>
      %dma_wait3A_140 = arith.constant 0 : i32
      %dma_wait3A_141 = tpu.memref_slice %arg7[%run_scoped3A_118, %dma_wait3A_140] : memref<3x32xf32, #tpu.memory_space<vmem>> -> memref<1x32xf32, #tpu.memory_space<vmem>>
      %dma_wait3A_142 = tpu.memref_squeeze %dma_wait3A_141 : memref<1x32xf32, #tpu.memory_space<vmem>> -> memref<32xf32, #tpu.memory_space<vmem>>
      tpu.wait_dma2 semaphore(%run_scoped3A_124 : memref<!tpu.dma_semaphore, #tpu.memory_space<semaphore_mem>>) src(%dma_wait3A_142 : memref<32xf32, #tpu.memory_space<vmem>>) dst(%dma_wait3A_139 : memref<32xf32, #tpu.memory_space<hbm>>)
      tpu.yield
    }) : () -> ()
    %mul3A_120 = arith.constant 32 : i32
    %mul3A_121 = arith.muli %select_n3A_30, %mul3A_120 : i32
    %run_scoped3A_122 = arith.constant 2 : i32
    %run_scoped3A_123 = arith.constant 2 : i32
    "tpu.region"() ({
      %run_scoped3A_124 = tpu.sem_alloc : memref<!tpu.dma_semaphore, #tpu.memory_space<semaphore_mem>>
      %dma_start3A = arith.constant 0 : i32
      %dma_start3A_125 = tpu.memref_slice %arg7[%run_scoped3A_122, %dma_start3A] : memref<3x32xf32, #tpu.memory_space<vmem>> -> memref<1x32xf32, #tpu.memory_space<vmem>>
      %dma_start3A_126 = tpu.memref_squeeze %dma_start3A_125 : memref<1x32xf32, #tpu.memory_space<vmem>> -> memref<32xf32, #tpu.memory_space<vmem>>
      %dma_start3A_127 = tpu.memref_slice %arg4[%select_n3A, %run_scoped3A_123, %mul3A_121] : memref<8x3x128xf32, #tpu.memory_space<hbm>> -> memref<1x1x32xf32, #tpu.memory_space<hbm>>
      %dma_start3A_128 = tpu.memref_squeeze %dma_start3A_127 : memref<1x1x32xf32, #tpu.memory_space<hbm>> -> memref<32xf32, #tpu.memory_space<hbm>>
      %dma_start3A_129 = tpu.memref_slice %arg4[%select_n3A, %run_scoped3A_123, %mul3A_121] : memref<8x3x128xf32, #tpu.memory_space<hbm>> -> memref<1x1x32xf32, #tpu.memory_space<hbm>>
      %dma_start3A_130 = tpu.memref_squeeze %dma_start3A_129 : memref<1x1x32xf32, #tpu.memory_space<hbm>> -> memref<32xf32, #tpu.memory_space<hbm>>
      %dma_start3A_131 = arith.constant 0 : i32
      %dma_start3A_132 = tpu.memref_slice %arg7[%run_scoped3A_122, %dma_start3A_131] : memref<3x32xf32, #tpu.memory_space<vmem>> -> memref<1x32xf32, #tpu.memory_space<vmem>>
      %dma_start3A_133 = tpu.memref_squeeze %dma_start3A_132 : memref<1x32xf32, #tpu.memory_space<vmem>> -> memref<32xf32, #tpu.memory_space<vmem>>
      tpu.enqueue_dma source(%dma_start3A_133 : memref<32xf32, #tpu.memory_space<vmem>>) target(%dma_start3A_130 : memref<32xf32, #tpu.memory_space<hbm>>) target_semaphore(%run_scoped3A_124 : memref<!tpu.dma_semaphore, #tpu.memory_space<semaphore_mem>>)
      %dma_wait3A = arith.constant 0 : i32
      %dma_wait3A_134 = tpu.memref_slice %arg7[%run_scoped3A_122, %dma_wait3A] : memref<3x32xf32, #tpu.memory_space<vmem>> -> memref<1x32xf32, #tpu.memory_space<vmem>>
      %dma_wait3A_135 = tpu.memref_squeeze %dma_wait3A_134 : memref<1x32xf32, #tpu.memory_space<vmem>> -> memref<32xf32, #tpu.memory_space<vmem>>
      %dma_wait3A_136 = tpu.memref_slice %arg4[%select_n3A, %run_scoped3A_123, %mul3A_121] : memref<8x3x128xf32, #tpu.memory_space<hbm>> -> memref<1x1x32xf32, #tpu.memory_space<hbm>>
      %dma_wait3A_137 = tpu.memref_squeeze %dma_wait3A_136 : memref<1x1x32xf32, #tpu.memory_space<hbm>> -> memref<32xf32, #tpu.memory_space<hbm>>
      %dma_wait3A_138 = tpu.memref_slice %arg4[%select_n3A, %run_scoped3A_123, %mul3A_121] : memref<8x3x128xf32, #tpu.memory_space<hbm>> -> memref<1x1x32xf32, #tpu.memory_space<hbm>>
      %dma_wait3A_139 = tpu.memref_squeeze %dma_wait3A_138 : memref<1x1x32xf32, #tpu.memory_space<hbm>> -> memref<32xf32, #tpu.memory_space<hbm>>
      %dma_wait3A_140 = arith.constant 0 : i32
      %dma_wait3A_141 = tpu.memref_slice %arg7[%run_scoped3A_122, %dma_wait3A_140] : memref<3x32xf32, #tpu.memory_space<vmem>> -> memref<1x32xf32, #tpu.memory_space<vmem>>
      %dma_wait3A_142 = tpu.memref_squeeze %dma_wait3A_141 : memref<1x32xf32, #tpu.memory_space<vmem>> -> memref<32xf32, #tpu.memory_space<vmem>>
      tpu.wait_dma2 semaphore(%run_scoped3A_124 : memref<!tpu.dma_semaphore, #tpu.memory_space<semaphore_mem>>) src(%dma_wait3A_142 : memref<32xf32, #tpu.memory_space<vmem>>) dst(%dma_wait3A_139 : memref<32xf32, #tpu.memory_space<hbm>>)
      tpu.yield
    }) : () -> ()
    return
  }
}

module attributes {stable_mosaic.version = 14 : i64} {
  func.func @_fused_kernel(%arg0: memref<128x128xi32, #tpu.memory_space<vmem>>, %arg1: memref<8x128x128xf32, #tpu.memory_space<vmem>>, %arg2: memref<8x3x128xf32, #tpu.memory_space<vmem>>, %arg3: memref<128x131xf32, #tpu.memory_space<vmem>>, %arg4: memref<1x128xf32, #tpu.memory_space<vmem>>, %arg5: memref<128x256xf32, #tpu.memory_space<vmem>>, %arg6: memref<1x128xf32, #tpu.memory_space<vmem>>, %arg7: memref<1x128xf32, #tpu.memory_space<vmem>>, %arg8: memref<1x128xf32, #tpu.memory_space<vmem>>, %arg9: memref<8x128x128xf32, #tpu.memory_space<vmem>>) attributes {dimension_semantics = [], scalar_prefetch = 0 : i64, scratch_operands = 0 : i64, tpu.core_type = #tpu.core_type<tc>} {
    %get3A = arith.constant 0 : index
    %get3A_0 = arith.constant 0 : index
    %get3A_1 = vector.load %arg0[%get3A, %get3A_0] : memref<128x128xi32, #tpu.memory_space<vmem>>, vector<128x128xi32>
    %gt3A = arith.constant 0 : i32
    %gt3A_2 = vector.broadcast %gt3A : i32 to vector<128x128xi32>
    %gt3A_3 = arith.cmpi sgt, %get3A_1, %gt3A_2 : vector<128x128xi32>
    %convert_element_type3A = arith.extui %gt3A_3 : vector<128x128xi1> to vector<128x128xi32>
    %convert_element_type3A_4 = arith.sitofp %convert_element_type3A : vector<128x128xi32> to vector<128x128xf32>
    %reduce_sum3A = arith.constant dense<0.000000e+00> : vector<128xf32>
    %reduce_sum3A_5 = vector.multi_reduction <add>, %convert_element_type3A_4, %reduce_sum3A [1] : vector<128x128xf32> to vector<128xf32>
    %broadcast_in_dim3A = vector.shape_cast %reduce_sum3A_5 : vector<128xf32> to vector<128x1xf32>
    %get3A_6 = arith.constant 0 : index
    %get3A_7 = arith.constant 0 : index
    %get3A_8 = vector.load %arg4[%get3A_6, %get3A_7] : memref<1x128xf32, #tpu.memory_space<vmem>>, vector<1x128xf32>
    %mul3A = vector.broadcast %broadcast_in_dim3A : vector<128x1xf32> to vector<128x128xf32>
    %mul3A_9 = vector.broadcast %get3A_8 : vector<1x128xf32> to vector<128x128xf32>
    %mul3A_10 = arith.mulf %mul3A, %mul3A_9 : vector<128x128xf32>
    %get3A_11 = arith.constant 0 : index
    %get3A_12 = arith.constant 0 : index
    %get3A_13 = vector.load %arg3[%get3A_11, %get3A_12] : memref<128x131xf32, #tpu.memory_space<vmem>>, vector<128x128xf32>
    %get3A_14 = arith.constant 0 : index
    %get3A_15 = arith.constant 128 : index
    %get3A_16 = vector.load %arg3[%get3A_14, %get3A_15] : memref<128x131xf32, #tpu.memory_space<vmem>>, vector<128x3xf32>
    %get3A_17 = arith.constant 0 : index
    %get3A_18 = arith.constant 0 : index
    %get3A_19 = vector.load %arg5[%get3A_17, %get3A_18] : memref<128x256xf32, #tpu.memory_space<vmem>>, vector<128x128xf32>
    %get3A_20 = arith.constant 0 : index
    %get3A_21 = arith.constant 128 : index
    %get3A_22 = vector.load %arg5[%get3A_20, %get3A_21] : memref<128x256xf32, #tpu.memory_space<vmem>>, vector<128x128xf32>
    %get3A_23 = arith.constant 0 : index
    %get3A_24 = arith.constant 0 : index
    %get3A_25 = vector.load %arg6[%get3A_23, %get3A_24] : memref<1x128xf32, #tpu.memory_space<vmem>>, vector<1x128xf32>
    %broadcast_in_dim3A_26 = arith.constant 0.000000e+00 : f32
    %broadcast_in_dim3A_27 = vector.broadcast %broadcast_in_dim3A_26 : f32 to vector<1x128xf32>
    %broadcast_in_dim3A_28 = arith.constant 0.000000e+00 : f32
    %broadcast_in_dim3A_29 = vector.broadcast %broadcast_in_dim3A_28 : f32 to vector<1x128xf32>
    %get3A_30 = arith.constant 0 : index
    %get3A_31 = arith.constant 0 : index
    %get3A_32 = arith.constant 0 : index
    %get3A_33 = vector.load %arg1[%get3A_30, %get3A_31, %get3A_32] : memref<8x128x128xf32, #tpu.memory_space<vmem>>, vector<1x128x128xf32>
    %get3A_34 = vector.shape_cast %get3A_33 : vector<1x128x128xf32> to vector<128x128xf32>
    %get3A_35 = arith.constant 0 : index
    %get3A_36 = arith.constant 0 : index
    %get3A_37 = arith.constant 0 : index
    %get3A_38 = vector.load %arg2[%get3A_35, %get3A_36, %get3A_37] : memref<8x3x128xf32, #tpu.memory_space<vmem>>, vector<1x3x128xf32>
    %get3A_39 = vector.shape_cast %get3A_38 : vector<1x3x128xf32> to vector<3x128xf32>
    %dot_general3A = arith.constant dense<0.000000e+00> : vector<128x128xf32>
    %dot_general3A_40 = tpu.matmul %get3A_39, %get3A_16, %dot_general3A {dimension_numbers = #tpu.dot_dimension_numbers<[0], [1], [1], [0], [0, 1, 1, 0], [], []>, transpose_lhs_hint = false} : vector<3x128xf32>, vector<128x3xf32>, vector<128x128xf32> -> vector<128x128xf32>
    %dot_general3A_41 = arith.constant dense<0.000000e+00> : vector<128x128xf32>
    %dot_general3A_42 = tpu.matmul %get3A_34, %get3A_13, %dot_general3A_41 {dimension_numbers = #tpu.dot_dimension_numbers<[1], [1], [0], [0], [0, 0, 1, 0], [], []>, transpose_lhs_hint = false} : vector<128x128xf32>, vector<128x128xf32>, vector<128x128xf32> -> vector<128x128xf32>
    %dot_general3A_43 = arith.constant dense<0.000000e+00> : vector<128x128xf32>
    %dot_general3A_44 = tpu.matmul %convert_element_type3A_4, %dot_general3A_42, %dot_general3A_43 {dimension_numbers = #tpu.dot_dimension_numbers<[1], [0], [0], [1], [0, 0, 1, 1], [], []>, transpose_lhs_hint = false} : vector<128x128xf32>, vector<128x128xf32>, vector<128x128xf32> -> vector<128x128xf32>
    %add3A = arith.addf %dot_general3A_44, %dot_general3A_40 : vector<128x128xf32>
    %add3A_45 = arith.addf %add3A, %mul3A_10 : vector<128x128xf32>
    %dot_general3A_46 = arith.constant dense<0.000000e+00> : vector<128x128xf32>
    %dot_general3A_47 = tpu.matmul %get3A_34, %get3A_19, %dot_general3A_46 {dimension_numbers = #tpu.dot_dimension_numbers<[1], [1], [0], [0], [0, 0, 1, 0], [], []>, transpose_lhs_hint = false} : vector<128x128xf32>, vector<128x128xf32>, vector<128x128xf32> -> vector<128x128xf32>
    %dot_general3A_48 = arith.constant dense<0.000000e+00> : vector<128x128xf32>
    %dot_general3A_49 = tpu.matmul %add3A_45, %get3A_22, %dot_general3A_48 {dimension_numbers = #tpu.dot_dimension_numbers<[1], [1], [0], [0], [0, 0, 1, 0], [], []>, transpose_lhs_hint = false} : vector<128x128xf32>, vector<128x128xf32>, vector<128x128xf32> -> vector<128x128xf32>
    %add3A_50 = arith.addf %dot_general3A_47, %dot_general3A_49 : vector<128x128xf32>
    %add3A_51 = vector.broadcast %get3A_25 : vector<1x128xf32> to vector<128x128xf32>
    %add3A_52 = arith.addf %add3A_50, %add3A_51 : vector<128x128xf32>
    %max3A = arith.constant 0.000000e+00 : f32
    %max3A_53 = vector.broadcast %max3A : f32 to vector<128x128xf32>
    %max3A_54 = arith.maximumf %add3A_52, %max3A_53 : vector<128x128xf32>
    %swap3A = arith.constant 0 : index
    %swap3A_55 = arith.constant 0 : index
    %swap3A_56 = arith.constant 0 : index
    %swap3A_57 = vector.load %arg9[%swap3A, %swap3A_55, %swap3A_56] : memref<8x128x128xf32, #tpu.memory_space<vmem>>, vector<1x128x128xf32>
    %swap3A_58 = vector.shape_cast %swap3A_57 : vector<1x128x128xf32> to vector<128x128xf32>
    %swap3A_59 = vector.shape_cast %max3A_54 : vector<128x128xf32> to vector<1x128x128xf32>
    tpu.vector_store %arg9[%swap3A, %swap3A_55, %swap3A_56], %swap3A_59 {strides = array<i32>} : memref<8x128x128xf32, #tpu.memory_space<vmem>>, vector<1x128x128xf32>,
    %reduce_sum3A_60 = arith.constant dense<0.000000e+00> : vector<128xf32>
    %reduce_sum3A_61 = vector.multi_reduction <add>, %max3A_54, %reduce_sum3A_60 [0] : vector<128x128xf32> to vector<128xf32>
    %broadcast_in_dim3A_62 = vector.shape_cast %reduce_sum3A_61 : vector<128xf32> to vector<1x128xf32>
    %add3A_63 = arith.addf %broadcast_in_dim3A_27, %broadcast_in_dim3A_62 : vector<1x128xf32>
    %mul3A_64 = arith.mulf %max3A_54, %max3A_54 : vector<128x128xf32>
    %reduce_sum3A_65 = arith.constant dense<0.000000e+00> : vector<128xf32>
    %reduce_sum3A_66 = vector.multi_reduction <add>, %mul3A_64, %reduce_sum3A_65 [0] : vector<128x128xf32> to vector<128xf32>
    %broadcast_in_dim3A_67 = vector.shape_cast %reduce_sum3A_66 : vector<128xf32> to vector<1x128xf32>
    %add3A_68 = arith.addf %broadcast_in_dim3A_29, %broadcast_in_dim3A_67 : vector<1x128xf32>
    %get3A_69 = arith.constant 1 : index
    %get3A_70 = arith.constant 0 : index
    %get3A_71 = arith.constant 0 : index
    %get3A_72 = vector.load %arg1[%get3A_69, %get3A_70, %get3A_71] : memref<8x128x128xf32, #tpu.memory_space<vmem>>, vector<1x128x128xf32>
    %get3A_73 = vector.shape_cast %get3A_72 : vector<1x128x128xf32> to vector<128x128xf32>
    %get3A_74 = arith.constant 1 : index
    %get3A_75 = arith.constant 0 : index
    %get3A_76 = arith.constant 0 : index
    %get3A_77 = vector.load %arg2[%get3A_74, %get3A_75, %get3A_76] : memref<8x3x128xf32, #tpu.memory_space<vmem>>, vector<1x3x128xf32>
    %get3A_78 = vector.shape_cast %get3A_77 : vector<1x3x128xf32> to vector<3x128xf32>
    %dot_general3A_79 = arith.constant dense<0.000000e+00> : vector<128x128xf32>
    %dot_general3A_80 = tpu.matmul %get3A_78, %get3A_16, %dot_general3A_79 {dimension_numbers = #tpu.dot_dimension_numbers<[0], [1], [1], [0], [0, 1, 1, 0], [], []>, transpose_lhs_hint = false} : vector<3x128xf32>, vector<128x3xf32>, vector<128x128xf32> -> vector<128x128xf32>
    %dot_general3A_81 = arith.constant dense<0.000000e+00> : vector<128x128xf32>
    %dot_general3A_82 = tpu.matmul %get3A_73, %get3A_13, %dot_general3A_81 {dimension_numbers = #tpu.dot_dimension_numbers<[1], [1], [0], [0], [0, 0, 1, 0], [], []>, transpose_lhs_hint = false} : vector<128x128xf32>, vector<128x128xf32>, vector<128x128xf32> -> vector<128x128xf32>
    %dot_general3A_83 = arith.constant dense<0.000000e+00> : vector<128x128xf32>
    %dot_general3A_84 = tpu.matmul %convert_element_type3A_4, %dot_general3A_82, %dot_general3A_83 {dimension_numbers = #tpu.dot_dimension_numbers<[1], [0], [0], [1], [0, 0, 1, 1], [], []>, transpose_lhs_hint = false} : vector<128x128xf32>, vector<128x128xf32>, vector<128x128xf32> -> vector<128x128xf32>
    %add3A_85 = arith.addf %dot_general3A_84, %dot_general3A_80 : vector<128x128xf32>
    %add3A_86 = arith.addf %add3A_85, %mul3A_10 : vector<128x128xf32>
    %dot_general3A_87 = arith.constant dense<0.000000e+00> : vector<128x128xf32>
    %dot_general3A_88 = tpu.matmul %get3A_73, %get3A_19, %dot_general3A_87 {dimension_numbers = #tpu.dot_dimension_numbers<[1], [1], [0], [0], [0, 0, 1, 0], [], []>, transpose_lhs_hint = false} : vector<128x128xf32>, vector<128x128xf32>, vector<128x128xf32> -> vector<128x128xf32>
    %dot_general3A_89 = arith.constant dense<0.000000e+00> : vector<128x128xf32>
    %dot_general3A_90 = tpu.matmul %add3A_86, %get3A_22, %dot_general3A_89 {dimension_numbers = #tpu.dot_dimension_numbers<[1], [1], [0], [0], [0, 0, 1, 0], [], []>, transpose_lhs_hint = false} : vector<128x128xf32>, vector<128x128xf32>, vector<128x128xf32> -> vector<128x128xf32>
    %add3A_91 = arith.addf %dot_general3A_88, %dot_general3A_90 : vector<128x128xf32>
    %add3A_92 = vector.broadcast %get3A_25 : vector<1x128xf32> to vector<128x128xf32>
    %add3A_93 = arith.addf %add3A_91, %add3A_92 : vector<128x128xf32>
    %max3A_94 = arith.constant 0.000000e+00 : f32
    %max3A_95 = vector.broadcast %max3A_94 : f32 to vector<128x128xf32>
    %max3A_96 = arith.maximumf %add3A_93, %max3A_95 : vector<128x128xf32>
    %swap3A_97 = arith.constant 1 : index
    %swap3A_98 = arith.constant 0 : index
    %swap3A_99 = arith.constant 0 : index
    %swap3A_100 = vector.load %arg9[%swap3A_97, %swap3A_98, %swap3A_99] : memref<8x128x128xf32, #tpu.memory_space<vmem>>, vector<1x128x128xf32>
    %swap3A_101 = vector.shape_cast %swap3A_100 : vector<1x128x128xf32> to vector<128x128xf32>
    %swap3A_102 = vector.shape_cast %max3A_96 : vector<128x128xf32> to vector<1x128x128xf32>
    tpu.vector_store %arg9[%swap3A_97, %swap3A_98, %swap3A_99], %swap3A_102 {strides = array<i32>} : memref<8x128x128xf32, #tpu.memory_space<vmem>>, vector<1x128x128xf32>,
    %reduce_sum3A_103 = arith.constant dense<0.000000e+00> : vector<128xf32>
    %reduce_sum3A_104 = vector.multi_reduction <add>, %max3A_96, %reduce_sum3A_103 [0] : vector<128x128xf32> to vector<128xf32>
    %broadcast_in_dim3A_105 = vector.shape_cast %reduce_sum3A_104 : vector<128xf32> to vector<1x128xf32>
    %add3A_106 = arith.addf %add3A_63, %broadcast_in_dim3A_105 : vector<1x128xf32>
    %mul3A_107 = arith.mulf %max3A_96, %max3A_96 : vector<128x128xf32>
    %reduce_sum3A_108 = arith.constant dense<0.000000e+00> : vector<128xf32>
    %reduce_sum3A_109 = vector.multi_reduction <add>, %mul3A_107, %reduce_sum3A_108 [0] : vector<128x128xf32> to vector<128xf32>
    %broadcast_in_dim3A_110 = vector.shape_cast %reduce_sum3A_109 : vector<128xf32> to vector<1x128xf32>
    %add3A_111 = arith.addf %add3A_68, %broadcast_in_dim3A_110 : vector<1x128xf32>
    %get3A_112 = arith.constant 2 : index
    %get3A_113 = arith.constant 0 : index
    %get3A_114 = arith.constant 0 : index
    %get3A_115 = vector.load %arg1[%get3A_112, %get3A_113, %get3A_114] : memref<8x128x128xf32, #tpu.memory_space<vmem>>, vector<1x128x128xf32>
    %get3A_116 = vector.shape_cast %get3A_115 : vector<1x128x128xf32> to vector<128x128xf32>
    %get3A_117 = arith.constant 2 : index
    %get3A_118 = arith.constant 0 : index
    %get3A_119 = arith.constant 0 : index
    %get3A_120 = vector.load %arg2[%get3A_117, %get3A_118, %get3A_119] : memref<8x3x128xf32, #tpu.memory_space<vmem>>, vector<1x3x128xf32>
    %get3A_121 = vector.shape_cast %get3A_120 : vector<1x3x128xf32> to vector<3x128xf32>
    %dot_general3A_122 = arith.constant dense<0.000000e+00> : vector<128x128xf32>
    %dot_general3A_123 = tpu.matmul %get3A_121, %get3A_16, %dot_general3A_122 {dimension_numbers = #tpu.dot_dimension_numbers<[0], [1], [1], [0], [0, 1, 1, 0], [], []>, transpose_lhs_hint = false} : vector<3x128xf32>, vector<128x3xf32>, vector<128x128xf32> -> vector<128x128xf32>
    %dot_general3A_124 = arith.constant dense<0.000000e+00> : vector<128x128xf32>
    %dot_general3A_125 = tpu.matmul %get3A_116, %get3A_13, %dot_general3A_124 {dimension_numbers = #tpu.dot_dimension_numbers<[1], [1], [0], [0], [0, 0, 1, 0], [], []>, transpose_lhs_hint = false} : vector<128x128xf32>, vector<128x128xf32>, vector<128x128xf32> -> vector<128x128xf32>
    %dot_general3A_126 = arith.constant dense<0.000000e+00> : vector<128x128xf32>
    %dot_general3A_127 = tpu.matmul %convert_element_type3A_4, %dot_general3A_125, %dot_general3A_126 {dimension_numbers = #tpu.dot_dimension_numbers<[1], [0], [0], [1], [0, 0, 1, 1], [], []>, transpose_lhs_hint = false} : vector<128x128xf32>, vector<128x128xf32>, vector<128x128xf32> -> vector<128x128xf32>
    %add3A_128 = arith.addf %dot_general3A_127, %dot_general3A_123 : vector<128x128xf32>
    %add3A_129 = arith.addf %add3A_128, %mul3A_10 : vector<128x128xf32>
    %dot_general3A_130 = arith.constant dense<0.000000e+00> : vector<128x128xf32>
    %dot_general3A_131 = tpu.matmul %get3A_116, %get3A_19, %dot_general3A_130 {dimension_numbers = #tpu.dot_dimension_numbers<[1], [1], [0], [0], [0, 0, 1, 0], [], []>, transpose_lhs_hint = false} : vector<128x128xf32>, vector<128x128xf32>, vector<128x128xf32> -> vector<128x128xf32>
    %dot_general3A_132 = arith.constant dense<0.000000e+00> : vector<128x128xf32>
    %dot_general3A_133 = tpu.matmul %add3A_129, %get3A_22, %dot_general3A_132 {dimension_numbers = #tpu.dot_dimension_numbers<[1], [1], [0], [0], [0, 0, 1, 0], [], []>, transpose_lhs_hint = false} : vector<128x128xf32>, vector<128x128xf32>, vector<128x128xf32> -> vector<128x128xf32>
    %add3A_134 = arith.addf %dot_general3A_131, %dot_general3A_133 : vector<128x128xf32>
    %add3A_135 = vector.broadcast %get3A_25 : vector<1x128xf32> to vector<128x128xf32>
    %add3A_136 = arith.addf %add3A_134, %add3A_135 : vector<128x128xf32>
    %max3A_137 = arith.constant 0.000000e+00 : f32
    %max3A_138 = vector.broadcast %max3A_137 : f32 to vector<128x128xf32>
    %max3A_139 = arith.maximumf %add3A_136, %max3A_138 : vector<128x128xf32>
    %swap3A_140 = arith.constant 2 : index
    %swap3A_141 = arith.constant 0 : index
    %swap3A_142 = arith.constant 0 : index
    %swap3A_143 = vector.load %arg9[%swap3A_140, %swap3A_141, %swap3A_142] : memref<8x128x128xf32, #tpu.memory_space<vmem>>, vector<1x128x128xf32>
    %swap3A_144 = vector.shape_cast %swap3A_143 : vector<1x128x128xf32> to vector<128x128xf32>
    %swap3A_145 = vector.shape_cast %max3A_139 : vector<128x128xf32> to vector<1x128x128xf32>
    tpu.vector_store %arg9[%swap3A_140, %swap3A_141, %swap3A_142], %swap3A_145 {strides = array<i32>} : memref<8x128x128xf32, #tpu.memory_space<vmem>>, vector<1x128x128xf32>,
    %reduce_sum3A_146 = arith.constant dense<0.000000e+00> : vector<128xf32>
    %reduce_sum3A_147 = vector.multi_reduction <add>, %max3A_139, %reduce_sum3A_146 [0] : vector<128x128xf32> to vector<128xf32>
    %broadcast_in_dim3A_148 = vector.shape_cast %reduce_sum3A_147 : vector<128xf32> to vector<1x128xf32>
    %add3A_149 = arith.addf %add3A_106, %broadcast_in_dim3A_148 : vector<1x128xf32>
    %mul3A_150 = arith.mulf %max3A_139, %max3A_139 : vector<128x128xf32>
    %reduce_sum3A_151 = arith.constant dense<0.000000e+00> : vector<128xf32>
    %reduce_sum3A_152 = vector.multi_reduction <add>, %mul3A_150, %reduce_sum3A_151 [0] : vector<128x128xf32> to vector<128xf32>
    %broadcast_in_dim3A_153 = vector.shape_cast %reduce_sum3A_152 : vector<128xf32> to vector<1x128xf32>
    %add3A_154 = arith.addf %add3A_111, %broadcast_in_dim3A_153 : vector<1x128xf32>
    %get3A_155 = arith.constant 3 : index
    %get3A_156 = arith.constant 0 : index
    %get3A_157 = arith.constant 0 : index
    %get3A_158 = vector.load %arg1[%get3A_155, %get3A_156, %get3A_157] : memref<8x128x128xf32, #tpu.memory_space<vmem>>, vector<1x128x128xf32>
    %get3A_159 = vector.shape_cast %get3A_158 : vector<1x128x128xf32> to vector<128x128xf32>
    %get3A_160 = arith.constant 3 : index
    %get3A_161 = arith.constant 0 : index
    %get3A_162 = arith.constant 0 : index
    %get3A_163 = vector.load %arg2[%get3A_160, %get3A_161, %get3A_162] : memref<8x3x128xf32, #tpu.memory_space<vmem>>, vector<1x3x128xf32>
    %get3A_164 = vector.shape_cast %get3A_163 : vector<1x3x128xf32> to vector<3x128xf32>
    %dot_general3A_165 = arith.constant dense<0.000000e+00> : vector<128x128xf32>
    %dot_general3A_166 = tpu.matmul %get3A_164, %get3A_16, %dot_general3A_165 {dimension_numbers = #tpu.dot_dimension_numbers<[0], [1], [1], [0], [0, 1, 1, 0], [], []>, transpose_lhs_hint = false} : vector<3x128xf32>, vector<128x3xf32>, vector<128x128xf32> -> vector<128x128xf32>
    %dot_general3A_167 = arith.constant dense<0.000000e+00> : vector<128x128xf32>
    %dot_general3A_168 = tpu.matmul %get3A_159, %get3A_13, %dot_general3A_167 {dimension_numbers = #tpu.dot_dimension_numbers<[1], [1], [0], [0], [0, 0, 1, 0], [], []>, transpose_lhs_hint = false} : vector<128x128xf32>, vector<128x128xf32>, vector<128x128xf32> -> vector<128x128xf32>
    %dot_general3A_169 = arith.constant dense<0.000000e+00> : vector<128x128xf32>
    %dot_general3A_170 = tpu.matmul %convert_element_type3A_4, %dot_general3A_168, %dot_general3A_169 {dimension_numbers = #tpu.dot_dimension_numbers<[1], [0], [0], [1], [0, 0, 1, 1], [], []>, transpose_lhs_hint = false} : vector<128x128xf32>, vector<128x128xf32>, vector<128x128xf32> -> vector<128x128xf32>
    %add3A_171 = arith.addf %dot_general3A_170, %dot_general3A_166 : vector<128x128xf32>
    %add3A_172 = arith.addf %add3A_171, %mul3A_10 : vector<128x128xf32>
    %dot_general3A_173 = arith.constant dense<0.000000e+00> : vector<128x128xf32>
    %dot_general3A_174 = tpu.matmul %get3A_159, %get3A_19, %dot_general3A_173 {dimension_numbers = #tpu.dot_dimension_numbers<[1], [1], [0], [0], [0, 0, 1, 0], [], []>, transpose_lhs_hint = false} : vector<128x128xf32>, vector<128x128xf32>, vector<128x128xf32> -> vector<128x128xf32>
    %dot_general3A_175 = arith.constant dense<0.000000e+00> : vector<128x128xf32>
    %dot_general3A_176 = tpu.matmul %add3A_172, %get3A_22, %dot_general3A_175 {dimension_numbers = #tpu.dot_dimension_numbers<[1], [1], [0], [0], [0, 0, 1, 0], [], []>, transpose_lhs_hint = false} : vector<128x128xf32>, vector<128x128xf32>, vector<128x128xf32> -> vector<128x128xf32>
    %add3A_177 = arith.addf %dot_general3A_174, %dot_general3A_176 : vector<128x128xf32>
    %add3A_178 = vector.broadcast %get3A_25 : vector<1x128xf32> to vector<128x128xf32>
    %add3A_179 = arith.addf %add3A_177, %add3A_178 : vector<128x128xf32>
    %max3A_180 = arith.constant 0.000000e+00 : f32
    %max3A_181 = vector.broadcast %max3A_180 : f32 to vector<128x128xf32>
    %max3A_182 = arith.maximumf %add3A_179, %max3A_181 : vector<128x128xf32>
    %swap3A_183 = arith.constant 3 : index
    %swap3A_184 = arith.constant 0 : index
    %swap3A_185 = arith.constant 0 : index
    %swap3A_186 = vector.load %arg9[%swap3A_183, %swap3A_184, %swap3A_185] : memref<8x128x128xf32, #tpu.memory_space<vmem>>, vector<1x128x128xf32>
    %swap3A_187 = vector.shape_cast %swap3A_186 : vector<1x128x128xf32> to vector<128x128xf32>
    %swap3A_188 = vector.shape_cast %max3A_182 : vector<128x128xf32> to vector<1x128x128xf32>
    tpu.vector_store %arg9[%swap3A_183, %swap3A_184, %swap3A_185], %swap3A_188 {strides = array<i32>} : memref<8x128x128xf32, #tpu.memory_space<vmem>>, vector<1x128x128xf32>,
    %reduce_sum3A_189 = arith.constant dense<0.000000e+00> : vector<128xf32>
    %reduce_sum3A_190 = vector.multi_reduction <add>, %max3A_182, %reduce_sum3A_189 [0] : vector<128x128xf32> to vector<128xf32>
    %broadcast_in_dim3A_191 = vector.shape_cast %reduce_sum3A_190 : vector<128xf32> to vector<1x128xf32>
    %add3A_192 = arith.addf %add3A_149, %broadcast_in_dim3A_191 : vector<1x128xf32>
    %mul3A_193 = arith.mulf %max3A_182, %max3A_182 : vector<128x128xf32>
    %reduce_sum3A_194 = arith.constant dense<0.000000e+00> : vector<128xf32>
    %reduce_sum3A_195 = vector.multi_reduction <add>, %mul3A_193, %reduce_sum3A_194 [0] : vector<128x128xf32> to vector<128xf32>
    %broadcast_in_dim3A_196 = vector.shape_cast %reduce_sum3A_195 : vector<128xf32> to vector<1x128xf32>
    %add3A_197 = arith.addf %add3A_154, %broadcast_in_dim3A_196 : vector<1x128xf32>
    %get3A_198 = arith.constant 4 : index
    %get3A_199 = arith.constant 0 : index
    %get3A_200 = arith.constant 0 : index
    %get3A_201 = vector.load %arg1[%get3A_198, %get3A_199, %get3A_200] : memref<8x128x128xf32, #tpu.memory_space<vmem>>, vector<1x128x128xf32>
    %get3A_202 = vector.shape_cast %get3A_201 : vector<1x128x128xf32> to vector<128x128xf32>
    %get3A_203 = arith.constant 4 : index
    %get3A_204 = arith.constant 0 : index
    %get3A_205 = arith.constant 0 : index
    %get3A_206 = vector.load %arg2[%get3A_203, %get3A_204, %get3A_205] : memref<8x3x128xf32, #tpu.memory_space<vmem>>, vector<1x3x128xf32>
    %get3A_207 = vector.shape_cast %get3A_206 : vector<1x3x128xf32> to vector<3x128xf32>
    %dot_general3A_208 = arith.constant dense<0.000000e+00> : vector<128x128xf32>
    %dot_general3A_209 = tpu.matmul %get3A_207, %get3A_16, %dot_general3A_208 {dimension_numbers = #tpu.dot_dimension_numbers<[0], [1], [1], [0], [0, 1, 1, 0], [], []>, transpose_lhs_hint = false} : vector<3x128xf32>, vector<128x3xf32>, vector<128x128xf32> -> vector<128x128xf32>
    %dot_general3A_210 = arith.constant dense<0.000000e+00> : vector<128x128xf32>
    %dot_general3A_211 = tpu.matmul %get3A_202, %get3A_13, %dot_general3A_210 {dimension_numbers = #tpu.dot_dimension_numbers<[1], [1], [0], [0], [0, 0, 1, 0], [], []>, transpose_lhs_hint = false} : vector<128x128xf32>, vector<128x128xf32>, vector<128x128xf32> -> vector<128x128xf32>
    %dot_general3A_212 = arith.constant dense<0.000000e+00> : vector<128x128xf32>
    %dot_general3A_213 = tpu.matmul %convert_element_type3A_4, %dot_general3A_211, %dot_general3A_212 {dimension_numbers = #tpu.dot_dimension_numbers<[1], [0], [0], [1], [0, 0, 1, 1], [], []>, transpose_lhs_hint = false} : vector<128x128xf32>, vector<128x128xf32>, vector<128x128xf32> -> vector<128x128xf32>
    %add3A_214 = arith.addf %dot_general3A_213, %dot_general3A_209 : vector<128x128xf32>
    %add3A_215 = arith.addf %add3A_214, %mul3A_10 : vector<128x128xf32>
    %dot_general3A_216 = arith.constant dense<0.000000e+00> : vector<128x128xf32>
    %dot_general3A_217 = tpu.matmul %get3A_202, %get3A_19, %dot_general3A_216 {dimension_numbers = #tpu.dot_dimension_numbers<[1], [1], [0], [0], [0, 0, 1, 0], [], []>, transpose_lhs_hint = false} : vector<128x128xf32>, vector<128x128xf32>, vector<128x128xf32> -> vector<128x128xf32>
    %dot_general3A_218 = arith.constant dense<0.000000e+00> : vector<128x128xf32>
    %dot_general3A_219 = tpu.matmul %add3A_215, %get3A_22, %dot_general3A_218 {dimension_numbers = #tpu.dot_dimension_numbers<[1], [1], [0], [0], [0, 0, 1, 0], [], []>, transpose_lhs_hint = false} : vector<128x128xf32>, vector<128x128xf32>, vector<128x128xf32> -> vector<128x128xf32>
    %add3A_220 = arith.addf %dot_general3A_217, %dot_general3A_219 : vector<128x128xf32>
    %add3A_221 = vector.broadcast %get3A_25 : vector<1x128xf32> to vector<128x128xf32>
    %add3A_222 = arith.addf %add3A_220, %add3A_221 : vector<128x128xf32>
    %max3A_223 = arith.constant 0.000000e+00 : f32
    %max3A_224 = vector.broadcast %max3A_223 : f32 to vector<128x128xf32>
    %max3A_225 = arith.maximumf %add3A_222, %max3A_224 : vector<128x128xf32>
    %swap3A_226 = arith.constant 4 : index
    %swap3A_227 = arith.constant 0 : index
    %swap3A_228 = arith.constant 0 : index
    %swap3A_229 = vector.load %arg9[%swap3A_226, %swap3A_227, %swap3A_228] : memref<8x128x128xf32, #tpu.memory_space<vmem>>, vector<1x128x128xf32>
    %swap3A_230 = vector.shape_cast %swap3A_229 : vector<1x128x128xf32> to vector<128x128xf32>
    %swap3A_231 = vector.shape_cast %max3A_225 : vector<128x128xf32> to vector<1x128x128xf32>
    tpu.vector_store %arg9[%swap3A_226, %swap3A_227, %swap3A_228], %swap3A_231 {strides = array<i32>} : memref<8x128x128xf32, #tpu.memory_space<vmem>>, vector<1x128x128xf32>,
    %reduce_sum3A_232 = arith.constant dense<0.000000e+00> : vector<128xf32>
    %reduce_sum3A_233 = vector.multi_reduction <add>, %max3A_225, %reduce_sum3A_232 [0] : vector<128x128xf32> to vector<128xf32>
    %broadcast_in_dim3A_234 = vector.shape_cast %reduce_sum3A_233 : vector<128xf32> to vector<1x128xf32>
    %add3A_235 = arith.addf %add3A_192, %broadcast_in_dim3A_234 : vector<1x128xf32>
    %mul3A_236 = arith.mulf %max3A_225, %max3A_225 : vector<128x128xf32>
    %reduce_sum3A_237 = arith.constant dense<0.000000e+00> : vector<128xf32>
    %reduce_sum3A_238 = vector.multi_reduction <add>, %mul3A_236, %reduce_sum3A_237 [0] : vector<128x128xf32> to vector<128xf32>
    %broadcast_in_dim3A_239 = vector.shape_cast %reduce_sum3A_238 : vector<128xf32> to vector<1x128xf32>
    %add3A_240 = arith.addf %add3A_197, %broadcast_in_dim3A_239 : vector<1x128xf32>
    %get3A_241 = arith.constant 5 : index
    %get3A_242 = arith.constant 0 : index
    %get3A_243 = arith.constant 0 : index
    %get3A_244 = vector.load %arg1[%get3A_241, %get3A_242, %get3A_243] : memref<8x128x128xf32, #tpu.memory_space<vmem>>, vector<1x128x128xf32>
    %get3A_245 = vector.shape_cast %get3A_244 : vector<1x128x128xf32> to vector<128x128xf32>
    %get3A_246 = arith.constant 5 : index
    %get3A_247 = arith.constant 0 : index
    %get3A_248 = arith.constant 0 : index
    %get3A_249 = vector.load %arg2[%get3A_246, %get3A_247, %get3A_248] : memref<8x3x128xf32, #tpu.memory_space<vmem>>, vector<1x3x128xf32>
    %get3A_250 = vector.shape_cast %get3A_249 : vector<1x3x128xf32> to vector<3x128xf32>
    %dot_general3A_251 = arith.constant dense<0.000000e+00> : vector<128x128xf32>
    %dot_general3A_252 = tpu.matmul %get3A_250, %get3A_16, %dot_general3A_251 {dimension_numbers = #tpu.dot_dimension_numbers<[0], [1], [1], [0], [0, 1, 1, 0], [], []>, transpose_lhs_hint = false} : vector<3x128xf32>, vector<128x3xf32>, vector<128x128xf32> -> vector<128x128xf32>
    %dot_general3A_253 = arith.constant dense<0.000000e+00> : vector<128x128xf32>
    %dot_general3A_254 = tpu.matmul %get3A_245, %get3A_13, %dot_general3A_253 {dimension_numbers = #tpu.dot_dimension_numbers<[1], [1], [0], [0], [0, 0, 1, 0], [], []>, transpose_lhs_hint = false} : vector<128x128xf32>, vector<128x128xf32>, vector<128x128xf32> -> vector<128x128xf32>
    %dot_general3A_255 = arith.constant dense<0.000000e+00> : vector<128x128xf32>
    %dot_general3A_256 = tpu.matmul %convert_element_type3A_4, %dot_general3A_254, %dot_general3A_255 {dimension_numbers = #tpu.dot_dimension_numbers<[1], [0], [0], [1], [0, 0, 1, 1], [], []>, transpose_lhs_hint = false} : vector<128x128xf32>, vector<128x128xf32>, vector<128x128xf32> -> vector<128x128xf32>
    %add3A_257 = arith.addf %dot_general3A_256, %dot_general3A_252 : vector<128x128xf32>
    %add3A_258 = arith.addf %add3A_257, %mul3A_10 : vector<128x128xf32>
    %dot_general3A_259 = arith.constant dense<0.000000e+00> : vector<128x128xf32>
    %dot_general3A_260 = tpu.matmul %get3A_245, %get3A_19, %dot_general3A_259 {dimension_numbers = #tpu.dot_dimension_numbers<[1], [1], [0], [0], [0, 0, 1, 0], [], []>, transpose_lhs_hint = false} : vector<128x128xf32>, vector<128x128xf32>, vector<128x128xf32> -> vector<128x128xf32>
    %dot_general3A_261 = arith.constant dense<0.000000e+00> : vector<128x128xf32>
    %dot_general3A_262 = tpu.matmul %add3A_258, %get3A_22, %dot_general3A_261 {dimension_numbers = #tpu.dot_dimension_numbers<[1], [1], [0], [0], [0, 0, 1, 0], [], []>, transpose_lhs_hint = false} : vector<128x128xf32>, vector<128x128xf32>, vector<128x128xf32> -> vector<128x128xf32>
    %add3A_263 = arith.addf %dot_general3A_260, %dot_general3A_262 : vector<128x128xf32>
    %add3A_264 = vector.broadcast %get3A_25 : vector<1x128xf32> to vector<128x128xf32>
    %add3A_265 = arith.addf %add3A_263, %add3A_264 : vector<128x128xf32>
    %max3A_266 = arith.constant 0.000000e+00 : f32
    %max3A_267 = vector.broadcast %max3A_266 : f32 to vector<128x128xf32>
    %max3A_268 = arith.maximumf %add3A_265, %max3A_267 : vector<128x128xf32>
    %swap3A_269 = arith.constant 5 : index
    %swap3A_270 = arith.constant 0 : index
    %swap3A_271 = arith.constant 0 : index
    %swap3A_272 = vector.load %arg9[%swap3A_269, %swap3A_270, %swap3A_271] : memref<8x128x128xf32, #tpu.memory_space<vmem>>, vector<1x128x128xf32>
    %swap3A_273 = vector.shape_cast %swap3A_272 : vector<1x128x128xf32> to vector<128x128xf32>
    %swap3A_274 = vector.shape_cast %max3A_268 : vector<128x128xf32> to vector<1x128x128xf32>
    tpu.vector_store %arg9[%swap3A_269, %swap3A_270, %swap3A_271], %swap3A_274 {strides = array<i32>} : memref<8x128x128xf32, #tpu.memory_space<vmem>>, vector<1x128x128xf32>,
    %reduce_sum3A_275 = arith.constant dense<0.000000e+00> : vector<128xf32>
    %reduce_sum3A_276 = vector.multi_reduction <add>, %max3A_268, %reduce_sum3A_275 [0] : vector<128x128xf32> to vector<128xf32>
    %broadcast_in_dim3A_277 = vector.shape_cast %reduce_sum3A_276 : vector<128xf32> to vector<1x128xf32>
    %add3A_278 = arith.addf %add3A_235, %broadcast_in_dim3A_277 : vector<1x128xf32>
    %mul3A_279 = arith.mulf %max3A_268, %max3A_268 : vector<128x128xf32>
    %reduce_sum3A_280 = arith.constant dense<0.000000e+00> : vector<128xf32>
    %reduce_sum3A_281 = vector.multi_reduction <add>, %mul3A_279, %reduce_sum3A_280 [0] : vector<128x128xf32> to vector<128xf32>
    %broadcast_in_dim3A_282 = vector.shape_cast %reduce_sum3A_281 : vector<128xf32> to vector<1x128xf32>
    %add3A_283 = arith.addf %add3A_240, %broadcast_in_dim3A_282 : vector<1x128xf32>
    %get3A_284 = arith.constant 6 : index
    %get3A_285 = arith.constant 0 : index
    %get3A_286 = arith.constant 0 : index
    %get3A_287 = vector.load %arg1[%get3A_284, %get3A_285, %get3A_286] : memref<8x128x128xf32, #tpu.memory_space<vmem>>, vector<1x128x128xf32>
    %get3A_288 = vector.shape_cast %get3A_287 : vector<1x128x128xf32> to vector<128x128xf32>
    %get3A_289 = arith.constant 6 : index
    %get3A_290 = arith.constant 0 : index
    %get3A_291 = arith.constant 0 : index
    %get3A_292 = vector.load %arg2[%get3A_289, %get3A_290, %get3A_291] : memref<8x3x128xf32, #tpu.memory_space<vmem>>, vector<1x3x128xf32>
    %get3A_293 = vector.shape_cast %get3A_292 : vector<1x3x128xf32> to vector<3x128xf32>
    %dot_general3A_294 = arith.constant dense<0.000000e+00> : vector<128x128xf32>
    %dot_general3A_295 = tpu.matmul %get3A_293, %get3A_16, %dot_general3A_294 {dimension_numbers = #tpu.dot_dimension_numbers<[0], [1], [1], [0], [0, 1, 1, 0], [], []>, transpose_lhs_hint = false} : vector<3x128xf32>, vector<128x3xf32>, vector<128x128xf32> -> vector<128x128xf32>
    %dot_general3A_296 = arith.constant dense<0.000000e+00> : vector<128x128xf32>
    %dot_general3A_297 = tpu.matmul %get3A_288, %get3A_13, %dot_general3A_296 {dimension_numbers = #tpu.dot_dimension_numbers<[1], [1], [0], [0], [0, 0, 1, 0], [], []>, transpose_lhs_hint = false} : vector<128x128xf32>, vector<128x128xf32>, vector<128x128xf32> -> vector<128x128xf32>
    %dot_general3A_298 = arith.constant dense<0.000000e+00> : vector<128x128xf32>
    %dot_general3A_299 = tpu.matmul %convert_element_type3A_4, %dot_general3A_297, %dot_general3A_298 {dimension_numbers = #tpu.dot_dimension_numbers<[1], [0], [0], [1], [0, 0, 1, 1], [], []>, transpose_lhs_hint = false} : vector<128x128xf32>, vector<128x128xf32>, vector<128x128xf32> -> vector<128x128xf32>
    %add3A_300 = arith.addf %dot_general3A_299, %dot_general3A_295 : vector<128x128xf32>
    %add3A_301 = arith.addf %add3A_300, %mul3A_10 : vector<128x128xf32>
    %dot_general3A_302 = arith.constant dense<0.000000e+00> : vector<128x128xf32>
    %dot_general3A_303 = tpu.matmul %get3A_288, %get3A_19, %dot_general3A_302 {dimension_numbers = #tpu.dot_dimension_numbers<[1], [1], [0], [0], [0, 0, 1, 0], [], []>, transpose_lhs_hint = false} : vector<128x128xf32>, vector<128x128xf32>, vector<128x128xf32> -> vector<128x128xf32>
    %dot_general3A_304 = arith.constant dense<0.000000e+00> : vector<128x128xf32>
    %dot_general3A_305 = tpu.matmul %add3A_301, %get3A_22, %dot_general3A_304 {dimension_numbers = #tpu.dot_dimension_numbers<[1], [1], [0], [0], [0, 0, 1, 0], [], []>, transpose_lhs_hint = false} : vector<128x128xf32>, vector<128x128xf32>, vector<128x128xf32> -> vector<128x128xf32>
    %add3A_306 = arith.addf %dot_general3A_303, %dot_general3A_305 : vector<128x128xf32>
    %add3A_307 = vector.broadcast %get3A_25 : vector<1x128xf32> to vector<128x128xf32>
    %add3A_308 = arith.addf %add3A_306, %add3A_307 : vector<128x128xf32>
    %max3A_309 = arith.constant 0.000000e+00 : f32
    %max3A_310 = vector.broadcast %max3A_309 : f32 to vector<128x128xf32>
    %max3A_311 = arith.maximumf %add3A_308, %max3A_310 : vector<128x128xf32>
    %swap3A_312 = arith.constant 6 : index
    %swap3A_313 = arith.constant 0 : index
    %swap3A_314 = arith.constant 0 : index
    %swap3A_315 = vector.load %arg9[%swap3A_312, %swap3A_313, %swap3A_314] : memref<8x128x128xf32, #tpu.memory_space<vmem>>, vector<1x128x128xf32>
    %swap3A_316 = vector.shape_cast %swap3A_315 : vector<1x128x128xf32> to vector<128x128xf32>
    %swap3A_317 = vector.shape_cast %max3A_311 : vector<128x128xf32> to vector<1x128x128xf32>
    tpu.vector_store %arg9[%swap3A_312, %swap3A_313, %swap3A_314], %swap3A_317 {strides = array<i32>} : memref<8x128x128xf32, #tpu.memory_space<vmem>>, vector<1x128x128xf32>,
    %reduce_sum3A_318 = arith.constant dense<0.000000e+00> : vector<128xf32>
    %reduce_sum3A_319 = vector.multi_reduction <add>, %max3A_311, %reduce_sum3A_318 [0] : vector<128x128xf32> to vector<128xf32>
    %broadcast_in_dim3A_320 = vector.shape_cast %reduce_sum3A_319 : vector<128xf32> to vector<1x128xf32>
    %add3A_321 = arith.addf %add3A_278, %broadcast_in_dim3A_320 : vector<1x128xf32>
    %mul3A_322 = arith.mulf %max3A_311, %max3A_311 : vector<128x128xf32>
    %reduce_sum3A_323 = arith.constant dense<0.000000e+00> : vector<128xf32>
    %reduce_sum3A_324 = vector.multi_reduction <add>, %mul3A_322, %reduce_sum3A_323 [0] : vector<128x128xf32> to vector<128xf32>
    %broadcast_in_dim3A_325 = vector.shape_cast %reduce_sum3A_324 : vector<128xf32> to vector<1x128xf32>
    %add3A_326 = arith.addf %add3A_283, %broadcast_in_dim3A_325 : vector<1x128xf32>
    %get3A_327 = arith.constant 7 : index
    %get3A_328 = arith.constant 0 : index
    %get3A_329 = arith.constant 0 : index
    %get3A_330 = vector.load %arg1[%get3A_327, %get3A_328, %get3A_329] : memref<8x128x128xf32, #tpu.memory_space<vmem>>, vector<1x128x128xf32>
    %get3A_331 = vector.shape_cast %get3A_330 : vector<1x128x128xf32> to vector<128x128xf32>
    %get3A_332 = arith.constant 7 : index
    %get3A_333 = arith.constant 0 : index
    %get3A_334 = arith.constant 0 : index
    %get3A_335 = vector.load %arg2[%get3A_332, %get3A_333, %get3A_334] : memref<8x3x128xf32, #tpu.memory_space<vmem>>, vector<1x3x128xf32>
    %get3A_336 = vector.shape_cast %get3A_335 : vector<1x3x128xf32> to vector<3x128xf32>
    %dot_general3A_337 = arith.constant dense<0.000000e+00> : vector<128x128xf32>
    %dot_general3A_338 = tpu.matmul %get3A_336, %get3A_16, %dot_general3A_337 {dimension_numbers = #tpu.dot_dimension_numbers<[0], [1], [1], [0], [0, 1, 1, 0], [], []>, transpose_lhs_hint = false} : vector<3x128xf32>, vector<128x3xf32>, vector<128x128xf32> -> vector<128x128xf32>
    %dot_general3A_339 = arith.constant dense<0.000000e+00> : vector<128x128xf32>
    %dot_general3A_340 = tpu.matmul %get3A_331, %get3A_13, %dot_general3A_339 {dimension_numbers = #tpu.dot_dimension_numbers<[1], [1], [0], [0], [0, 0, 1, 0], [], []>, transpose_lhs_hint = false} : vector<128x128xf32>, vector<128x128xf32>, vector<128x128xf32> -> vector<128x128xf32>
    %dot_general3A_341 = arith.constant dense<0.000000e+00> : vector<128x128xf32>
    %dot_general3A_342 = tpu.matmul %convert_element_type3A_4, %dot_general3A_340, %dot_general3A_341 {dimension_numbers = #tpu.dot_dimension_numbers<[1], [0], [0], [1], [0, 0, 1, 1], [], []>, transpose_lhs_hint = false} : vector<128x128xf32>, vector<128x128xf32>, vector<128x128xf32> -> vector<128x128xf32>
    %add3A_343 = arith.addf %dot_general3A_342, %dot_general3A_338 : vector<128x128xf32>
    %add3A_344 = arith.addf %add3A_343, %mul3A_10 : vector<128x128xf32>
    %dot_general3A_345 = arith.constant dense<0.000000e+00> : vector<128x128xf32>
    %dot_general3A_346 = tpu.matmul %get3A_331, %get3A_19, %dot_general3A_345 {dimension_numbers = #tpu.dot_dimension_numbers<[1], [1], [0], [0], [0, 0, 1, 0], [], []>, transpose_lhs_hint = false} : vector<128x128xf32>, vector<128x128xf32>, vector<128x128xf32> -> vector<128x128xf32>
    %dot_general3A_347 = arith.constant dense<0.000000e+00> : vector<128x128xf32>
    %dot_general3A_348 = tpu.matmul %add3A_344, %get3A_22, %dot_general3A_347 {dimension_numbers = #tpu.dot_dimension_numbers<[1], [1], [0], [0], [0, 0, 1, 0], [], []>, transpose_lhs_hint = false} : vector<128x128xf32>, vector<128x128xf32>, vector<128x128xf32> -> vector<128x128xf32>
    %add3A_349 = arith.addf %dot_general3A_346, %dot_general3A_348 : vector<128x128xf32>
    %add3A_350 = vector.broadcast %get3A_25 : vector<1x128xf32> to vector<128x128xf32>
    %add3A_351 = arith.addf %add3A_349, %add3A_350 : vector<128x128xf32>
    %max3A_352 = arith.constant 0.000000e+00 : f32
    %max3A_353 = vector.broadcast %max3A_352 : f32 to vector<128x128xf32>
    %max3A_354 = arith.maximumf %add3A_351, %max3A_353 : vector<128x128xf32>
    %swap3A_355 = arith.constant 7 : index
    %swap3A_356 = arith.constant 0 : index
    %swap3A_357 = arith.constant 0 : index
    %swap3A_358 = vector.load %arg9[%swap3A_355, %swap3A_356, %swap3A_357] : memref<8x128x128xf32, #tpu.memory_space<vmem>>, vector<1x128x128xf32>
    %swap3A_359 = vector.shape_cast %swap3A_358 : vector<1x128x128xf32> to vector<128x128xf32>
    %swap3A_360 = vector.shape_cast %max3A_354 : vector<128x128xf32> to vector<1x128x128xf32>
    tpu.vector_store %arg9[%swap3A_355, %swap3A_356, %swap3A_357], %swap3A_360 {strides = array<i32>} : memref<8x128x128xf32, #tpu.memory_space<vmem>>, vector<1x128x128xf32>,
    %reduce_sum3A_361 = arith.constant dense<0.000000e+00> : vector<128xf32>
    %reduce_sum3A_362 = vector.multi_reduction <add>, %max3A_354, %reduce_sum3A_361 [0] : vector<128x128xf32> to vector<128xf32>
    %broadcast_in_dim3A_363 = vector.shape_cast %reduce_sum3A_362 : vector<128xf32> to vector<1x128xf32>
    %add3A_364 = arith.addf %add3A_321, %broadcast_in_dim3A_363 : vector<1x128xf32>
    %mul3A_365 = arith.mulf %max3A_354, %max3A_354 : vector<128x128xf32>
    %reduce_sum3A_366 = arith.constant dense<0.000000e+00> : vector<128xf32>
    %reduce_sum3A_367 = vector.multi_reduction <add>, %mul3A_365, %reduce_sum3A_366 [0] : vector<128x128xf32> to vector<128xf32>
    %broadcast_in_dim3A_368 = vector.shape_cast %reduce_sum3A_367 : vector<128xf32> to vector<1x128xf32>
    %add3A_369 = arith.addf %add3A_326, %broadcast_in_dim3A_368 : vector<1x128xf32>
    %mul3A_370 = arith.constant 9.765625E-4 : f32
    %mul3A_371 = vector.broadcast %mul3A_370 : f32 to vector<1x128xf32>
    %mul3A_372 = arith.mulf %add3A_364, %mul3A_371 : vector<1x128xf32>
    %mul3A_373 = arith.constant 9.765625E-4 : f32
    %mul3A_374 = vector.broadcast %mul3A_373 : f32 to vector<1x128xf32>
    %mul3A_375 = arith.mulf %add3A_369, %mul3A_374 : vector<1x128xf32>
    %mul3A_376 = arith.mulf %mul3A_372, %mul3A_372 : vector<1x128xf32>
    %sub3A = arith.subf %mul3A_375, %mul3A_376 : vector<1x128xf32>
    %add3A_377 = arith.constant 9.99999974E-6 : f32
    %add3A_378 = vector.broadcast %add3A_377 : f32 to vector<1x128xf32>
    %add3A_379 = arith.addf %sub3A, %add3A_378 : vector<1x128xf32>
    %rsqrt3A = math.rsqrt %add3A_379 : vector<1x128xf32>
    %get3A_380 = arith.constant 0 : index
    %get3A_381 = arith.constant 0 : index
    %get3A_382 = vector.load %arg7[%get3A_380, %get3A_381] : memref<1x128xf32, #tpu.memory_space<vmem>>, vector<1x128xf32>
    %mul3A_383 = arith.mulf %rsqrt3A, %get3A_382 : vector<1x128xf32>
    %get3A_384 = arith.constant 0 : index
    %get3A_385 = arith.constant 0 : index
    %get3A_386 = vector.load %arg8[%get3A_384, %get3A_385] : memref<1x128xf32, #tpu.memory_space<vmem>>, vector<1x128xf32>
    %mul3A_387 = arith.mulf %mul3A_372, %mul3A_383 : vector<1x128xf32>
    %sub3A_388 = arith.subf %get3A_386, %mul3A_387 : vector<1x128xf32>
    %get3A_389 = arith.constant 0 : index
    %get3A_390 = arith.constant 0 : index
    %get3A_391 = arith.constant 0 : index
    %get3A_392 = vector.load %arg9[%get3A_389, %get3A_390, %get3A_391] : memref<8x128x128xf32, #tpu.memory_space<vmem>>, vector<1x128x128xf32>
    %get3A_393 = vector.shape_cast %get3A_392 : vector<1x128x128xf32> to vector<128x128xf32>
    %mul3A_394 = vector.broadcast %mul3A_383 : vector<1x128xf32> to vector<128x128xf32>
    %mul3A_395 = arith.mulf %get3A_393, %mul3A_394 : vector<128x128xf32>
    %add3A_396 = vector.broadcast %sub3A_388 : vector<1x128xf32> to vector<128x128xf32>
    %add3A_397 = arith.addf %mul3A_395, %add3A_396 : vector<128x128xf32>
    %get3A_398 = arith.constant 0 : index
    %get3A_399 = arith.constant 0 : index
    %get3A_400 = arith.constant 0 : index
    %get3A_401 = vector.load %arg1[%get3A_398, %get3A_399, %get3A_400] : memref<8x128x128xf32, #tpu.memory_space<vmem>>, vector<1x128x128xf32>
    %get3A_402 = vector.shape_cast %get3A_401 : vector<1x128x128xf32> to vector<128x128xf32>
    %add3A_403 = arith.addf %add3A_397, %get3A_402 : vector<128x128xf32>
    %swap3A_404 = arith.constant 0 : index
    %swap3A_405 = arith.constant 0 : index
    %swap3A_406 = arith.constant 0 : index
    %swap3A_407 = vector.load %arg9[%swap3A_404, %swap3A_405, %swap3A_406] : memref<8x128x128xf32, #tpu.memory_space<vmem>>, vector<1x128x128xf32>
    %swap3A_408 = vector.shape_cast %swap3A_407 : vector<1x128x128xf32> to vector<128x128xf32>
    %swap3A_409 = vector.shape_cast %add3A_403 : vector<128x128xf32> to vector<1x128x128xf32>
    tpu.vector_store %arg9[%swap3A_404, %swap3A_405, %swap3A_406], %swap3A_409 {strides = array<i32>} : memref<8x128x128xf32, #tpu.memory_space<vmem>>, vector<1x128x128xf32>,
    %get3A_410 = arith.constant 1 : index
    %get3A_411 = arith.constant 0 : index
    %get3A_412 = arith.constant 0 : index
    %get3A_413 = vector.load %arg9[%get3A_410, %get3A_411, %get3A_412] : memref<8x128x128xf32, #tpu.memory_space<vmem>>, vector<1x128x128xf32>
    %get3A_414 = vector.shape_cast %get3A_413 : vector<1x128x128xf32> to vector<128x128xf32>
    %mul3A_415 = vector.broadcast %mul3A_383 : vector<1x128xf32> to vector<128x128xf32>
    %mul3A_416 = arith.mulf %get3A_414, %mul3A_415 : vector<128x128xf32>
    %add3A_417 = vector.broadcast %sub3A_388 : vector<1x128xf32> to vector<128x128xf32>
    %add3A_418 = arith.addf %mul3A_416, %add3A_417 : vector<128x128xf32>
    %get3A_419 = arith.constant 1 : index
    %get3A_420 = arith.constant 0 : index
    %get3A_421 = arith.constant 0 : index
    %get3A_422 = vector.load %arg1[%get3A_419, %get3A_420, %get3A_421] : memref<8x128x128xf32, #tpu.memory_space<vmem>>, vector<1x128x128xf32>
    %get3A_423 = vector.shape_cast %get3A_422 : vector<1x128x128xf32> to vector<128x128xf32>
    %add3A_424 = arith.addf %add3A_418, %get3A_423 : vector<128x128xf32>
    %swap3A_425 = arith.constant 1 : index
    %swap3A_426 = arith.constant 0 : index
    %swap3A_427 = arith.constant 0 : index
    %swap3A_428 = vector.load %arg9[%swap3A_425, %swap3A_426, %swap3A_427] : memref<8x128x128xf32, #tpu.memory_space<vmem>>, vector<1x128x128xf32>
    %swap3A_429 = vector.shape_cast %swap3A_428 : vector<1x128x128xf32> to vector<128x128xf32>
    %swap3A_430 = vector.shape_cast %add3A_424 : vector<128x128xf32> to vector<1x128x128xf32>
    tpu.vector_store %arg9[%swap3A_425, %swap3A_426, %swap3A_427], %swap3A_430 {strides = array<i32>} : memref<8x128x128xf32, #tpu.memory_space<vmem>>, vector<1x128x128xf32>,
    %get3A_431 = arith.constant 2 : index
    %get3A_432 = arith.constant 0 : index
    %get3A_433 = arith.constant 0 : index
    %get3A_434 = vector.load %arg9[%get3A_431, %get3A_432, %get3A_433] : memref<8x128x128xf32, #tpu.memory_space<vmem>>, vector<1x128x128xf32>
    %get3A_435 = vector.shape_cast %get3A_434 : vector<1x128x128xf32> to vector<128x128xf32>
    %mul3A_436 = vector.broadcast %mul3A_383 : vector<1x128xf32> to vector<128x128xf32>
    %mul3A_437 = arith.mulf %get3A_435, %mul3A_436 : vector<128x128xf32>
    %add3A_438 = vector.broadcast %sub3A_388 : vector<1x128xf32> to vector<128x128xf32>
    %add3A_439 = arith.addf %mul3A_437, %add3A_438 : vector<128x128xf32>
    %get3A_440 = arith.constant 2 : index
    %get3A_441 = arith.constant 0 : index
    %get3A_442 = arith.constant 0 : index
    %get3A_443 = vector.load %arg1[%get3A_440, %get3A_441, %get3A_442] : memref<8x128x128xf32, #tpu.memory_space<vmem>>, vector<1x128x128xf32>
    %get3A_444 = vector.shape_cast %get3A_443 : vector<1x128x128xf32> to vector<128x128xf32>
    %add3A_445 = arith.addf %add3A_439, %get3A_444 : vector<128x128xf32>
    %swap3A_446 = arith.constant 2 : index
    %swap3A_447 = arith.constant 0 : index
    %swap3A_448 = arith.constant 0 : index
    %swap3A_449 = vector.load %arg9[%swap3A_446, %swap3A_447, %swap3A_448] : memref<8x128x128xf32, #tpu.memory_space<vmem>>, vector<1x128x128xf32>
    %swap3A_450 = vector.shape_cast %swap3A_449 : vector<1x128x128xf32> to vector<128x128xf32>
    %swap3A_451 = vector.shape_cast %add3A_445 : vector<128x128xf32> to vector<1x128x128xf32>
    tpu.vector_store %arg9[%swap3A_446, %swap3A_447, %swap3A_448], %swap3A_451 {strides = array<i32>} : memref<8x128x128xf32, #tpu.memory_space<vmem>>, vector<1x128x128xf32>,
    %get3A_452 = arith.constant 3 : index
    %get3A_453 = arith.constant 0 : index
    %get3A_454 = arith.constant 0 : index
    %get3A_455 = vector.load %arg9[%get3A_452, %get3A_453, %get3A_454] : memref<8x128x128xf32, #tpu.memory_space<vmem>>, vector<1x128x128xf32>
    %get3A_456 = vector.shape_cast %get3A_455 : vector<1x128x128xf32> to vector<128x128xf32>
    %mul3A_457 = vector.broadcast %mul3A_383 : vector<1x128xf32> to vector<128x128xf32>
    %mul3A_458 = arith.mulf %get3A_456, %mul3A_457 : vector<128x128xf32>
    %add3A_459 = vector.broadcast %sub3A_388 : vector<1x128xf32> to vector<128x128xf32>
    %add3A_460 = arith.addf %mul3A_458, %add3A_459 : vector<128x128xf32>
    %get3A_461 = arith.constant 3 : index
    %get3A_462 = arith.constant 0 : index
    %get3A_463 = arith.constant 0 : index
    %get3A_464 = vector.load %arg1[%get3A_461, %get3A_462, %get3A_463] : memref<8x128x128xf32, #tpu.memory_space<vmem>>, vector<1x128x128xf32>
    %get3A_465 = vector.shape_cast %get3A_464 : vector<1x128x128xf32> to vector<128x128xf32>
    %add3A_466 = arith.addf %add3A_460, %get3A_465 : vector<128x128xf32>
    %swap3A_467 = arith.constant 3 : index
    %swap3A_468 = arith.constant 0 : index
    %swap3A_469 = arith.constant 0 : index
    %swap3A_470 = vector.load %arg9[%swap3A_467, %swap3A_468, %swap3A_469] : memref<8x128x128xf32, #tpu.memory_space<vmem>>, vector<1x128x128xf32>
    %swap3A_471 = vector.shape_cast %swap3A_470 : vector<1x128x128xf32> to vector<128x128xf32>
    %swap3A_472 = vector.shape_cast %add3A_466 : vector<128x128xf32> to vector<1x128x128xf32>
    tpu.vector_store %arg9[%swap3A_467, %swap3A_468, %swap3A_469], %swap3A_472 {strides = array<i32>} : memref<8x128x128xf32, #tpu.memory_space<vmem>>, vector<1x128x128xf32>,
    %get3A_473 = arith.constant 4 : index
    %get3A_474 = arith.constant 0 : index
    %get3A_475 = arith.constant 0 : index
    %get3A_476 = vector.load %arg9[%get3A_473, %get3A_474, %get3A_475] : memref<8x128x128xf32, #tpu.memory_space<vmem>>, vector<1x128x128xf32>
    %get3A_477 = vector.shape_cast %get3A_476 : vector<1x128x128xf32> to vector<128x128xf32>
    %mul3A_478 = vector.broadcast %mul3A_383 : vector<1x128xf32> to vector<128x128xf32>
    %mul3A_479 = arith.mulf %get3A_477, %mul3A_478 : vector<128x128xf32>
    %add3A_480 = vector.broadcast %sub3A_388 : vector<1x128xf32> to vector<128x128xf32>
    %add3A_481 = arith.addf %mul3A_479, %add3A_480 : vector<128x128xf32>
    %get3A_482 = arith.constant 4 : index
    %get3A_483 = arith.constant 0 : index
    %get3A_484 = arith.constant 0 : index
    %get3A_485 = vector.load %arg1[%get3A_482, %get3A_483, %get3A_484] : memref<8x128x128xf32, #tpu.memory_space<vmem>>, vector<1x128x128xf32>
    %get3A_486 = vector.shape_cast %get3A_485 : vector<1x128x128xf32> to vector<128x128xf32>
    %add3A_487 = arith.addf %add3A_481, %get3A_486 : vector<128x128xf32>
    %swap3A_488 = arith.constant 4 : index
    %swap3A_489 = arith.constant 0 : index
    %swap3A_490 = arith.constant 0 : index
    %swap3A_491 = vector.load %arg9[%swap3A_488, %swap3A_489, %swap3A_490] : memref<8x128x128xf32, #tpu.memory_space<vmem>>, vector<1x128x128xf32>
    %swap3A_492 = vector.shape_cast %swap3A_491 : vector<1x128x128xf32> to vector<128x128xf32>
    %swap3A_493 = vector.shape_cast %add3A_487 : vector<128x128xf32> to vector<1x128x128xf32>
    tpu.vector_store %arg9[%swap3A_488, %swap3A_489, %swap3A_490], %swap3A_493 {strides = array<i32>} : memref<8x128x128xf32, #tpu.memory_space<vmem>>, vector<1x128x128xf32>,
    %get3A_494 = arith.constant 5 : index
    %get3A_495 = arith.constant 0 : index
    %get3A_496 = arith.constant 0 : index
    %get3A_497 = vector.load %arg9[%get3A_494, %get3A_495, %get3A_496] : memref<8x128x128xf32, #tpu.memory_space<vmem>>, vector<1x128x128xf32>
    %get3A_498 = vector.shape_cast %get3A_497 : vector<1x128x128xf32> to vector<128x128xf32>
    %mul3A_499 = vector.broadcast %mul3A_383 : vector<1x128xf32> to vector<128x128xf32>
    %mul3A_500 = arith.mulf %get3A_498, %mul3A_499 : vector<128x128xf32>
    %add3A_501 = vector.broadcast %sub3A_388 : vector<1x128xf32> to vector<128x128xf32>
    %add3A_502 = arith.addf %mul3A_500, %add3A_501 : vector<128x128xf32>
    %get3A_503 = arith.constant 5 : index
    %get3A_504 = arith.constant 0 : index
    %get3A_505 = arith.constant 0 : index
    %get3A_506 = vector.load %arg1[%get3A_503, %get3A_504, %get3A_505] : memref<8x128x128xf32, #tpu.memory_space<vmem>>, vector<1x128x128xf32>
    %get3A_507 = vector.shape_cast %get3A_506 : vector<1x128x128xf32> to vector<128x128xf32>
    %add3A_508 = arith.addf %add3A_502, %get3A_507 : vector<128x128xf32>
    %swap3A_509 = arith.constant 5 : index
    %swap3A_510 = arith.constant 0 : index
    %swap3A_511 = arith.constant 0 : index
    %swap3A_512 = vector.load %arg9[%swap3A_509, %swap3A_510, %swap3A_511] : memref<8x128x128xf32, #tpu.memory_space<vmem>>, vector<1x128x128xf32>
    %swap3A_513 = vector.shape_cast %swap3A_512 : vector<1x128x128xf32> to vector<128x128xf32>
    %swap3A_514 = vector.shape_cast %add3A_508 : vector<128x128xf32> to vector<1x128x128xf32>
    tpu.vector_store %arg9[%swap3A_509, %swap3A_510, %swap3A_511], %swap3A_514 {strides = array<i32>} : memref<8x128x128xf32, #tpu.memory_space<vmem>>, vector<1x128x128xf32>,
    %get3A_515 = arith.constant 6 : index
    %get3A_516 = arith.constant 0 : index
    %get3A_517 = arith.constant 0 : index
    %get3A_518 = vector.load %arg9[%get3A_515, %get3A_516, %get3A_517] : memref<8x128x128xf32, #tpu.memory_space<vmem>>, vector<1x128x128xf32>
    %get3A_519 = vector.shape_cast %get3A_518 : vector<1x128x128xf32> to vector<128x128xf32>
    %mul3A_520 = vector.broadcast %mul3A_383 : vector<1x128xf32> to vector<128x128xf32>
    %mul3A_521 = arith.mulf %get3A_519, %mul3A_520 : vector<128x128xf32>
    %add3A_522 = vector.broadcast %sub3A_388 : vector<1x128xf32> to vector<128x128xf32>
    %add3A_523 = arith.addf %mul3A_521, %add3A_522 : vector<128x128xf32>
    %get3A_524 = arith.constant 6 : index
    %get3A_525 = arith.constant 0 : index
    %get3A_526 = arith.constant 0 : index
    %get3A_527 = vector.load %arg1[%get3A_524, %get3A_525, %get3A_526] : memref<8x128x128xf32, #tpu.memory_space<vmem>>, vector<1x128x128xf32>
    %get3A_528 = vector.shape_cast %get3A_527 : vector<1x128x128xf32> to vector<128x128xf32>
    %add3A_529 = arith.addf %add3A_523, %get3A_528 : vector<128x128xf32>
    %swap3A_530 = arith.constant 6 : index
    %swap3A_531 = arith.constant 0 : index
    %swap3A_532 = arith.constant 0 : index
    %swap3A_533 = vector.load %arg9[%swap3A_530, %swap3A_531, %swap3A_532] : memref<8x128x128xf32, #tpu.memory_space<vmem>>, vector<1x128x128xf32>
    %swap3A_534 = vector.shape_cast %swap3A_533 : vector<1x128x128xf32> to vector<128x128xf32>
    %swap3A_535 = vector.shape_cast %add3A_529 : vector<128x128xf32> to vector<1x128x128xf32>
    tpu.vector_store %arg9[%swap3A_530, %swap3A_531, %swap3A_532], %swap3A_535 {strides = array<i32>} : memref<8x128x128xf32, #tpu.memory_space<vmem>>, vector<1x128x128xf32>,
    %get3A_536 = arith.constant 7 : index
    %get3A_537 = arith.constant 0 : index
    %get3A_538 = arith.constant 0 : index
    %get3A_539 = vector.load %arg9[%get3A_536, %get3A_537, %get3A_538] : memref<8x128x128xf32, #tpu.memory_space<vmem>>, vector<1x128x128xf32>
    %get3A_540 = vector.shape_cast %get3A_539 : vector<1x128x128xf32> to vector<128x128xf32>
    %mul3A_541 = vector.broadcast %mul3A_383 : vector<1x128xf32> to vector<128x128xf32>
    %mul3A_542 = arith.mulf %get3A_540, %mul3A_541 : vector<128x128xf32>
    %add3A_543 = vector.broadcast %sub3A_388 : vector<1x128xf32> to vector<128x128xf32>
    %add3A_544 = arith.addf %mul3A_542, %add3A_543 : vector<128x128xf32>
    %get3A_545 = arith.constant 7 : index
    %get3A_546 = arith.constant 0 : index
    %get3A_547 = arith.constant 0 : index
    %get3A_548 = vector.load %arg1[%get3A_545, %get3A_546, %get3A_547] : memref<8x128x128xf32, #tpu.memory_space<vmem>>, vector<1x128x128xf32>
    %get3A_549 = vector.shape_cast %get3A_548 : vector<1x128x128xf32> to vector<128x128xf32>
    %add3A_550 = arith.addf %add3A_544, %get3A_549 : vector<128x128xf32>
    %swap3A_551 = arith.constant 7 : index
    %swap3A_552 = arith.constant 0 : index
    %swap3A_553 = arith.constant 0 : index
    %swap3A_554 = vector.load %arg9[%swap3A_551, %swap3A_552, %swap3A_553] : memref<8x128x128xf32, #tpu.memory_space<vmem>>, vector<1x128x128xf32>
    %swap3A_555 = vector.shape_cast %swap3A_554 : vector<1x128x128xf32> to vector<128x128xf32>
    %swap3A_556 = vector.shape_cast %add3A_550 : vector<128x128xf32> to vector<1x128x128xf32>
    tpu.vector_store %arg9[%swap3A_551, %swap3A_552, %swap3A_553], %swap3A_556 {strides = array<i32>} : memref<8x128x128xf32, #tpu.memory_space<vmem>>, vector<1x128x128xf32>,
    return
  }
}

</mosaic_0001>

<sc_bundles>
// kernel: kernel.4.cloned.1.call-start
scs
__scs_entry_jumppad:
0x0: {  	(pc) =	sbr.rel $0x88, $3  }
0x1: {  	(tag) =	ssettag $0x0;
	lr =	simm.s32 $0x1  }
0x2: {  	[smem:$0x3F98] =	sst lr;
	_ =	strace $0xD0000000  }
0x3: {  	_ = 	snop  }
0x4: {  	_ = 	snop  }
0x5: {  	_ = 	snop  }
0x6: {  	_ = 	snop  }
0x7: {  	_ = 	snop  }
__scs_overlays_trampoline_lowered:
0x8: {  	[smem:$0x3FA7] =	sst s0  }
0x9: {  	[smem:$0x3FA8] =	sst s1  }
0xa: {  	[smem:$0x3FA9] =	sst s2  }
0xb: {  	[smem:$0x3FAA] =	sst s3  }
0xc: {  	[smem:$0x3FAB] =	sst s4  }
0xd: {  	[smem:$0x3FAC] =	sst s5  }
0xe: {  	[smem:$0x3FAD] =	sst s6  }
0xf: {  	[smem:$0x3FAE] =	sst s7  }
0x10: {  	[smem:$0x3FAF] =	sst s8  }
0x11: {  	[smem:$0x3FB0] =	sst s9;
	s0 =	simm.s32 @!p0 $0x0  }
0x12: {  	s1 =	sld [smem:$0x3F96];
	s0 =	simm.s32 @p0 $0x1  }
0x13: {  	[smem:$0x3FB1] =	sst s0;
	s0 =	simm.s32 @!p1 $0x0  }
0x14: {  	s2 =	sld [smem:$0x3F95];
	s0 =	simm.s32 @p1 $0x1  }
0x15: {  	[smem:$0x3FB2] =	sst s0;
	s0 =	simm.s32 @!p2 $0x0  }
0x16: {  	s3 =	sld [smem:$0x3FDB];
	s0 =	simm.s32 @p2 $0x1  }
0x17: {  	s4 =	simm.s32 $0x1BF5;
	[smem:$0x3FB4] =	sst s0  }
0x18: {  	s0 =	sld [smem:$0x3F97];
	_ =	swait.ge [sflag:s4], $0x0  }
0x19: {  	s7 =	sld [smem:$0x3F98]  }
0x1a: {  	s8 =	sadd.s32 $0xFFFFE003, lr  }
0x1b: {  	s9 =	sadd.s32 $0xFFFFFEF7, lr;
	s5 =	simm.s32 $0xFFFFFFFF;
	p2 =	slt.u32 s8, $0xFFFFF086  }
0x1c: {  	p1 =	slt.u32 s9, $0xF7A;
	s5 =	simm.s32 @!p2 $0x0  }
0x1d: {  	s5 =	simm.s32 @p1 $0x1;
	p0 =	seq.s32 s7, s2  }
0x1e: {  	s7 =	smul.u32 @!p0 $0xF7A, s2;
	p2 =	seq.s32 @!p0 s5, $0x0  }
0x1f: {  	s9 =	smul.u32 $0xF7A, s1;
	s8 =	simm.s32 @!p0 $0x1BF5;
	p2 =	por !p2, p0  }
0x20: {  	[sflag:s8] =	ssyncset.s32 @!p0 $0xFFFFF086;
	s6 =	sadd.s32 @!p0 s3, s7;
	s7 =	simm.s32 @!p0 $0x108  }
0x21: {  	s3 =	sadd.s32 s3, s9;
	s6 =	sadd.s32 @!p0 $0x88, s6;
	s7 =	simm.s32 @p2 $0x1082  }
0x22: {  	[simem:s7], [sflag:s8] =	dma.local @!p0 [hbm:s6], $0xF7A  }
0x23: {  	s9 =	sor.u32 $0xD0000000, s2;
	s6 =	simm.s32 $0x108;
	_ =	swait.ge @!p0 [sflag:s8], $0x0  }
0x24: {  	s3 =	sadd.s32 $0x88, s3;
	s6 =	simm.s32 @!p1 $0x1082;
	[sflag:s4] =	ssyncset.s32 $0xFFFFF086  }
0x25: {  	[simem:s6], [sflag:s4] =	dma.local [hbm:s3], $0xF7A  }
0x26: {  	[smem:$0x3F98] =	sst s1;
	(tag) =	ssettag s2;
	_ =	strace s9  }
0x27: {  	s1 =	sld [smem:$0x3FA8]  }
0x28: {  	s2 =	sld [smem:$0x3FA9]  }
0x29: {  	s4 =	sld [smem:$0x3FAB]  }
0x2a: {  	p0 =	seq.s32 s5, $0x0;
	s5 =	sld [smem:$0x3FAC]  }
0x2b: {  	s6 =	sld [smem:$0x3FAD]  }
0x2c: {  	s7 =	sld [smem:$0x3FAE]  }
0x2d: {  	s3 =	simm.s32 $0x108;
	s8 =	sld [smem:$0x3FAF]  }
0x2e: {  	s3 =	simm.s32 @!p0 $0x1082;
	s9 =	sld [smem:$0x3FB0]  }
0x2f: {  	lr =	sadd.s32 s0, s3;
	s0 =	sld [smem:$0x3FA7]  }
0x30: {  	s3 =	sld [smem:$0x3FAA]  }
0x31: {  	[smem:$0x3FB3] =	sst s10  }
0x32: {  	s10 =	sld [smem:$0x3FB1];
	_ =	sdelay $0x3  }
0x33: {  	p0 =	seq.s32 s10, $0x1;
	s10 =	sld [smem:$0x3FB3];
	_ =	sdelay $0x3  }
0x34: {  	[smem:$0x3FB3] =	sst s10  }
0x35: {  	s10 =	sld [smem:$0x3FB2];
	_ =	sdelay $0x3  }
0x36: {  	p1 =	seq.s32 s10, $0x1;
	s10 =	sld [smem:$0x3FB3];
	_ =	sdelay $0x3  }
0x37: {  	[smem:$0x3FB3] =	sst s10  }
0x38: {  	s10 =	sld [smem:$0x3FB4]  }
0x39: {  	_ = 	snop;
	(pc) =	sbr.ind lr, $3  }
0x3a: {  	_ = 	snop  }
0x3b: {  	_ = 	snop  }
0x3c: {  	p2 =	seq.s32 s10, $0x1;
	s10 =	sld [smem:$0x3FB3]  }
0x3d: {  	_ =	shalt  }
0x3e: {  	_ =	shalt  }
0x3f: {  	_ =	shalt  }
0x40: {  	_ =	shalt  }
0x41: {  	_ =	shalt  }
0x42: {  	_ =	shalt  }
0x43: {  	_ =	shalt  }
0x44: {  	_ =	shalt  }
0x45: {  	_ =	shalt  }
0x46: {  	_ =	shalt  }
0x47: {  	_ =	shalt  }
0x48: {  	_ =	shalt  }
0x49: {  	_ =	shalt  }
0x4a: {  	_ =	shalt  }
0x4b: {  	_ =	shalt  }
0x4c: {  	_ =	shalt  }
0x4d: {  	_ =	shalt  }
0x4e: {  	_ =	shalt  }
0x4f: {  	_ =	shalt  }
0x50: {  	_ =	shalt  }
0x51: {  	_ =	shalt  }
0x52: {  	_ =	shalt  }
0x53: {  	_ =	shalt  }
0x54: {  	_ =	shalt  }
0x55: {  	_ =	shalt  }
0x56: {  	_ =	shalt  }
0x57: {  	_ =	shalt  }
0x58: {  	_ =	shalt  }
0x59: {  	_ =	shalt  }
0x5a: {  	_ =	shalt  }
0x5b: {  	_ =	shalt  }
0x5c: {  	_ =	shalt  }
0x5d: {  	_ =	shalt  }
0x5e: {  	_ =	shalt  }
0x5f: {  	_ =	shalt  }
0x60: {  	_ =	shalt  }
0x61: {  	_ =	shalt  }
0x62: {  	_ =	shalt  }
0x63: {  	_ =	shalt  }
0x64: {  	_ =	shalt  }
0x65: {  	_ =	shalt  }
0x66: {  	_ =	shalt  }
0x67: {  	_ =	shalt  }
0x68: {  	_ =	shalt  }
0x69: {  	_ =	shalt  }
0x6a: {  	_ =	shalt  }
0x6b: {  	_ =	shalt  }
0x6c: {  	_ =	shalt  }
0x6d: {  	_ =	shalt  }
0x6e: {  	_ =	shalt  }
0x6f: {  	_ =	shalt  }
0x70: {  	_ =	shalt  }
0x71: {  	_ =	shalt  }
0x72: {  	_ =	shalt  }
0x73: {  	_ =	shalt  }
0x74: {  	_ =	shalt  }
0x75: {  	_ =	shalt  }
0x76: {  	_ =	shalt  }
0x77: {  	_ =	shalt  }
0x78: {  	_ =	shalt  }
0x79: {  	_ =	shalt  }
0x7a: {  	_ =	shalt  }
0x7b: {  	_ =	shalt  }
0x7c: {  	_ =	shalt  }
0x7d: {  	_ =	shalt  }
0x7e: {  	_ =	shalt  }
0x7f: {  	_ =	shalt  }
0x80: {  	_ =	shalt  }
0x81: {  	_ =	shalt  }
0x82: {  	_ =	shalt  }
0x83: {  	_ =	shalt  }
0x84: {  	_ =	shalt  }
0x85: {  	_ =	shalt  }
0x86: {  	_ =	shalt  }
0x87: {  	_ =	shalt  }
.Lfunc_end0:
.L_simem_size_0:
called_computation_lowered:
.L_overlay_start_0:
0x88: {  	s2 =	sld [smem:$0x3FD9]  }
0x89: {  	s3 =	sld [smem:$0x3FFE];
	_ =	sdelay $0x1  }
0x8a: {  	s1 =	srdreg.scid  }
0x8b: {  	s0 =	sand.u32 $0x1, s1  }
0x8c: {  	s17 =	sshll.u32 s0, $0xA;
	s2 =	sadd.s32 s3, s2  }
0x8d: {  	s2 =	sadd.s32 s2, s17  }
0x8e: {  	[smem:$0x3FBF] =	sst s2  }
0x8f: {  	_ = 	snop  }
0x90: {  	s2 =	sld [smem:$0x3FC7]  }
0x91: {  	s18 =	sld [smem:$0x3FD0];
	(tm) =	ssettm $0x1  }
0x92: {  	s4 =	sld [smem:$0x3FFB];
	_ =	sdelay $0x3  }
0x93: {  	_ =	strace s4  }
0x94: {  	s4 =	sld [smem:$0x3FFC];
	_ =	sdelay $0x3  }
0x95: {  	_ =	strace s4  }
0x96: {  	s4 =	sld [smem:$0x3FFD];
	_ =	sdelay $0x3  }
0x97: {  	_ =	strace s4  }
0x98: {  	_ =	strace $0x8FFFFFFF  }
0x99: {  	s19 =	sld [smem:$0x3FDB];
	_ =	sdelay $0x1  }
0x9a: {  	s5 =	simm.s32 $_scs_section_size  }
0x9b: {  	s6 =	simm.s32 $_size__tile_overlayer_lowered;
	s7 =	simm.s32 $_tile_overlayer_lowered  }
0x9c: {  	s22 =	simm.s32 $0x1BFF;
	s21 =	sshll.u32 s7, $0x1;
	s4 =	sadd.s32 s5, s19  }
0x9d: {  	s8 =	simm.s32 $0x0;
	s20 =	sshll.u32 s6, $0x1;
	s6 =	sadd.s32 s21, s4  }
0x9e: {  	[timem:s8], [sflag:s22] =	dma.local [hbm:s6], s20  }
0x9f: {  	_ =	swait.ge [sflag:s22], s20  }
0xa0: {  	s5 =	ssub.s32 $0x0, s20;
	[sflag:s22] =	ssyncset.done $0x0  }
0xa1: {  	[sflag:s22] =	ssyncadd.s32 s5;
	_ =	sdelay $0x1  }
0xa2: {  	s23 =	simm.s32 $0x1B8B  }
0xa3: {  	_ =	swait.ge [sflag:s23], $0x1  }
0xa4: {  	[sflag:s23] =	ssyncset.done $0x0  }
0xa5: {  	s25 =	simm.s32 $0x1B8E;
	s24 =	sld [smem:$0x3FFE];
	[sflag:s23] =	ssyncadd.s32 $0xFFFFFFFF  }
0xa6: {  	s26 =	simm.s32 $execute0_lowered;
	[smem:$0x3FD2] =	sst s25  }
0xa7: {  	s6 =	sshll.u32 s26, $0x1;
	_ =	strace $0x80000046;
	[dreg:$0x1] =	wrdreg $0xFFFFFFFF  }
0xa8: {  	s28 =	simm.s32 $_size_execute0_lowered;
	s4 =	sadd.s32 s4, s6;
	[dreg:$0x0] =	wrdreg $0x0  }
0xa9: {  	s6 =	sshll.u32 s28, $0x1;
	[dreg:$0x2] =	wrdreg s4  }
0xaa: {  	[dreg:$0x3] =	wrdreg s6  }
0xab: {  	[dreg:$0x4] =	wrdreg $0xC0  }
0xac: {  	_ =	task [dreg:s8], $0x5FFFF  }
0xad: {  	[dreg:$0x1] =	wrdreg $0xFFFFFFFF  }
0xae: {  	[dreg:$0x0] =	wrdreg $0x60  }
0xaf: {  	[dreg:$0x2] =	wrdreg s24  }
0xb0: {  	[dreg:$0x3] =	wrdreg s2  }
0xb1: {  	[dreg:$0x4] =	wrdreg s18  }
0xb2: {  	[dreg:$0x5] =	wrdreg $0x9  }
0xb3: {  	_ =	task.clear_ibuf [dreg:s8], $0x6FFFF;
	_ =	strace $0x90000046  }
0xb4: {  	s29 =	simm.s32 $0x9;
	_ =	strace $0x80000048  }
0xb5: {  	_ =	swait.ge [sflag:s29], $0x1  }
0xb6: {  	[sflag:s29] =	ssyncadd.s32 $0xFFFFFFFF  }
0xb7: {  	_ =	strace $0x90000048  }
0xb8: {  	_ =	sfence  }
0xb9: {  	s30 =	sld [smem:$0x0];
	_ =	sdelay $0x2  }
0xba: {  	s31 =	sshll.u32 s1, $0xD;
	s1 =	sshrl.u32 s1, $0x2  }
0xbb: {  	s3 =	sand.u32 $0x4000, s31;
	s1 =	sadd.s32 s1, s30  }
0xbc: {  	s0 =	sor.u32 s3, s0;
	s1 =	sshll.u32 s1, $0x11  }
0xbd: {  	s0 =	sor.u32 s1, s0  }
0xbe: {  	s0 =	sadd.s32 $0x8F2B, s0  }
0xbf: {  	[sflag:s0] =	ssyncadd.remote.s32 $0x1  }
0xc0: {  	_ =	sfence.sel $0xFFFF  }
0xc1: {  	[dreg:$0x0] =	wrdreg $0xFFFFFFFF;
	(pc) =	sbr.abs _section_cstart, $3  }
0xc2: {  	[dreg:$0x1] =	wrdreg $0xFFFFFFFF  }
0xc3: {  	_ =	task.clear_ibuf [dreg:s8], $0x2FFFF;
	_ =	strace $0x9FFFFFFF  }
0xc4: {  	(tm) =	ssettm $0x7FFFFFFF  }
0xc5: {  	_ =	shalt  }
tec
execute0_lowered:
.L_overlay_start_1:
0x0: {  	(tag) =	ssettag $0x1  }
0x1: {  	s3 =	rddreg [dreg:$0x0]  }
0x2: {  	s0 =	stileid.u32;
	s6 =	rddreg [dreg:$0x1]  }
0x3: {  	s1 =	srdreg.scid;
	s9 =	rddreg [dreg:$0x2]  }
0x4: {  	s11 =	simm.s32 $0x60;
	s12 =	simm.s32 $0x180;
	s13 =	simm.s32 $0x4000  }
0x5: {  	s14 =	simm.s32 $0x4020;
	s15 =	simm.s32 $0x4040;
	s16 =	simm.s32 $0x0  }
0x6: {  	s2 =	sshll.u32 s0, $0x1;
	s4 =	sand.u32 $0x1, s1;
	s5 =	sshrl.u32 s0, $0x1  }
0x7: {  	s1 =	rddreg [dreg:$0x3];
	s25 =	sand.u32 $0x2, s2;
	s8 =	smul.u32 $0xC000, s5  }
0x8: {  	s2 =	simm.s32 $0x0;
	s5 =	smul.u32 $0x180, s5;
	s28 =	ssub.s32 $0x2, s4  }
0x9: {  	s7 =	sor.u32 s4, s25;
	[smem:$0x7FF] =	sst s2;
	s30 =	sshrl.u32 s28, $0x1  }
0xa: {  	s10 =	smul.u32 $0x60, s7;
	_ =	strace $0x80000047;
	s26 =	sshll.u32 s7, $0x5  }
0xb: {  	v1 =	vlaneseq.u32;
	s7 =	sshll.u32 s7, $0x9;
	s31 =	ssub.s32 s28, s30;
	s29 =	sor.u32 s5, s26  }
0xc: {  	v0 =	vmul.u32 $0x80, v1;
	v1 =	vmul.u32 $0x3, v1;
	s8 =	sor.u32 s8, s10;
	s4 =	sshrl.u32 s29, $0x3;
	s10 =	simm.s32 $0x1  }
0xd: {  	s8 =	sshrl.u32 s8, $0x3;
	s4 =	sadd.s32 s9, s4;
	s9 =	simm.s32 $0x3000  }
0xe: {  	v2 =	vadd.s32 $0x1, v1;
	v3 =	vadd.s32 $0x2, v1;
	v4 =	vor.u32 $0x800, v0;
	s8 =	sadd.s32 s8, s3;
	s3 =	sadd.s32 s6, s7;
	s6 =	sadd.s32 $0x10, s4  }
0xf: {  	v5 =	vadd.s32 $0x30, v1;
	v6 =	vadd.s32 $0x31, v1;
	v7 =	vadd.s32 $0x32, v1;
	s7 =	sadd.s32 $0x20, s4;
	s5 =	sadd.s32 $0x1400, s8;
	s8 =	smax.u32 s31, $0x1  }
.LBB2_1:
0x10: {  	v8 =	vimm.s32 $0x0;
	[tilespmem:s9], [sflag:$0x1] =	stream.linear.gather [hbm4b:s3+s2], $0x1000, $0x38;
	[tilespmem:$0x4060] =	vst v63  }
0x11: {  	v9 =	vmul.u32 $0x60, v8;
	_ =	swait.ge [sflag:s10], $0x1000  }
0x12: {  	v11 =	vand.u32 $0xFFFFFFF8, v8;
	v12 =	vor.u32 $0x2, v8;
	[sflag:s10] =	ssyncset.done $0x0  }
0x13: {  	v13 =	vand.u32 $0x4, v8;
	v14 =	vadd.s32 v0, v11;
	v10 =	vor.u32 v1, v9;
	[sflag:s10] =	ssyncadd.s32 $0xFFFFF000  }
0x14: {  	v16 =	vand.u32 $0x6, v12;
	v15 =	vor.u32 v13, v14;
	[tilespmem:s2], [sflag:$0x1] =	stream.strided.gather [hbm4b:s5+s11], $0x3000, s12, s11, $0x38;
	[tilespmem:$0x4060] =	vst v63  }
0x15: {  	v11 =	vadd.s32 v4, v11;
	v17 =	vor.u32 v16, v14;
	_ =	swait.ge [sflag:s10], $0x3000  }
0x16: {  	v18 =	vor.u32 $0x1, v8;
	v16 =	vor.u32 v16, v11;
	[sflag:s10] =	ssyncset.done $0x0  }
0x17: {  	v19 =	vand.u32 $0x5, v18;
	v13 =	vor.u32 v13, v11;
	[sflag:s10] =	ssyncadd.s32 $0xFFFFD000  }
0x18: {  	v20 =	vor.u32 v19, v14;
	v10 =	vld.idx.msk [tilespmem:v10+s2+$0x0], $0xffff  }
0x19: {  	v21 =	vor.u32 v3, v9;
	v15 =	vld.idx.msk [tilespmem:v15+s9+$0x0], $0xffff  }
0x1a: {  	v26 =	vor.u32 v7, v9;
	v17 =	vld.idx.msk [tilespmem:v17+s9+$0x0], $0xffff  }
0x1b: {  	v28 =	vadd.s32 $0x4, v8;
	v29 =	vor.u32 v6, v9;
	v16 =	vld.idx.msk [tilespmem:v16+s9+$0x0], $0xffff  }
0x1c: {  	v8 =	vor.u32 $0x3, v8;
	v32 =	vor.u32 v2, v9;
	v9 =	vor.u32 v5, v9;
	v13 =	vld.idx.msk [tilespmem:v13+s9+$0x0], $0xffff  }
0x1d: {  	v12 =	vmul.u32 $0x60, v12;
	v36 =	vand.u32 $0x7, v8;
	v20 =	vld.idx.msk [tilespmem:v20+s9+$0x0], $0xffff  }
0x1e: {  	v19 =	vor.u32 v19, v11;
	v11 =	vor.u32 v36, v11;
	v21 =	vld.idx.msk [tilespmem:v21+s2+$0x0], $0xffff  }
0x1f: {  	v22 =	vadd.s32 v6, v12;
	v26 =	vld.idx.msk [tilespmem:v26+s2+$0x0], $0xffff  }
0x20: {  	v18 =	vmul.u32 $0x60, v18;
	v23 =	vadd.s32 v7, v12;
	v29 =	vld.idx.msk [tilespmem:v29+s2+$0x0], $0xffff  }
0x21: {  	v24 =	vor.u32 v3, v12;
	v9 =	vld.idx.msk [tilespmem:v9+s2+$0x0], $0xffff  }
0x22: {  	v25 =	vadd.s32 v3, v18;
	v32 =	vld.idx.msk [tilespmem:v32+s2+$0x0], $0xffff  }
0x23: {  	v27 =	vimm.f32 $0.0e+00;
	v8 =	vmul.u32 $0x60, v8;
	v11 =	vld.idx.msk [tilespmem:v11+s9+$0x0], $0xffff  }
0x24: {  	v39 =	vmul.u32 $0x60, v28;
	v14 =	vor.u32 v36, v14;
	v30 =	vor.u32 v2, v12;
	v22 =	vld.idx.msk [tilespmem:v22+s2+$0x0], $0xffff  }
0x25: {  	v31 =	vor.u32 v1, v12;
	v33 =	vadd.s32 v1, v18;
	v12 =	vadd.s32 v5, v12;
	v23 =	vld.idx.msk [tilespmem:v23+s2+$0x0], $0xffff  }
0x26: {  	v34 =	vadd.s32 v2, v18;
	v35 =	vadd.s32 v7, v18;
	v59 =	vadd.s32 v2, v8;
	v24 =	vld.idx.msk [tilespmem:v24+s2+$0x0], $0xffff  }
0x27: {  	v60 =	vadd.s32 v6, v8;
	v62 =	vor.u32 v3, v39;
	v56 =	vor.u32 v6, v39;
	v25 =	vld.idx.msk [tilespmem:v25+s2+$0x0], $0xffff  }
0x28: {  	vm0 =	vgt.s32 v15, $0x0;
	v15 =	vld.idx.msk [tilespmem:v19+s9+$0x0], $0xffff;
	v19 =	vadd.s32 v6, v18;
	v18 =	vadd.s32 v5, v18  }
0x29: {  	v30 =	vld.idx.msk [tilespmem:v30+s2+$0x0], $0xffff;
	vm4 =	vgt.s32 v13, $0x0;
	vm3 =	vgt.s32 v17, $0x0;
	vm2 =	vgt.s32 v20, $0x0  }
0x2a: {  	v12 =	vld.idx.msk [tilespmem:v12+s2+$0x0], $0xffff;
	v20 =	vadd.s32 v3, v8;
	vm5 =	vgt.s32 v16, $0x0;
	v16 =	vadd.s32 v1, v8  }
0x2b: {  	v13 =	vld.idx.msk [tilespmem:v35+s2+$0x0], $0xffff;
	v10 =	vnsel vm0, $0x0, v10;
	v21 =	vnsel vm0, $0x0, v21;
	v35 =	vnsel vm3, $0x0, v24  }
0x2c: {  	v31 =	vld.idx.msk [tilespmem:v31+s2+$0x0], $0xffff;
	v24 =	vadd.s32 v5, v8;
	v29 =	vnsel vm4, $0x0, v29;
	v26 =	vnsel vm4, $0x0, v26  }
0x2d: {  	v9 =	vnsel vm4, $0x0, v9;
	v22 =	vnsel vm5, $0x0, v22;
	v41 =	vnsel vm5, $0x0, v23  }
0x2e: {  	v25 =	vnsel vm2, $0x0, v25;
	v30 =	vnsel vm3, $0x0, v30;
	v21 =	vadd.f32 v21, v27  }
0x2f: {  	v17 =	vld.idx.msk [tilespmem:v34+s2+$0x0], $0xffff;
	v40 =	vnsel vm5, $0x0, v12;
	v37 =	vadd.f32 v26, v27;
	v10 =	vadd.f32 v10, v27  }
0x30: {  	v23 =	vor.u32 $0x2, v28;
	v38 =	vadd.f32 v9, v27;
	v26 =	vadd.f32 v29, v27  }
0x31: {  	v14 =	vld.idx.msk [tilespmem:v14+s9+$0x0], $0xffff;
	v9 =	vnsel vm0, $0x0, v32;
	v32 =	vnsel vm3, $0x0, v31;
	vm0 =	vgt.s32 v11, $0x0  }
0x32: {  	v49 =	vmul.u32 $0x60, v23;
	v31 =	vadd.f32 v9, v27;
	v27 =	vand.u32 $0xFFFFFFF8, v28;
	v19 =	vld.idx.msk [tilespmem:v19+s2+$0x0], $0xffff  }
0x33: {  	v9 =	vor.u32 $0x3, v28;
	vm1 =	vgt.s32 v15, $0x0;
	v15 =	vadd.s32 v7, v8;
	v18 =	vld.idx.msk [tilespmem:v18+s2+$0x0], $0xffff  }
0x34: {  	v44 =	vadd.s32 v4, v27;
	v63 =	vadd.s32 v6, v49;
	v29 =	vnsel vm2, $0x0, v17;
	v17 =	vld.idx.msk [tilespmem:v33+s2+$0x0], $0xffff  }
0x35: {  	v58 =	vld.idx.msk [tilespmem:v62+s2+$0x0], $0xffff;
	v53 =	vadd.s32 v7, v49;
	v61 =	vnsel vm1, $0x0, v13;
	v13 =	vor.u32 $0x1, v28  }
0x36: {  	v34 =	vor.u32 v1, v49;
	v8 =	vadd.s32 $0x4, v28;
	v16 =	vld.idx.msk [tilespmem:v16+s2+$0x0], $0xffff;
	v11 =	vand.u32 $0x5, v13  }
0x37: {  	v20 =	vld.idx.msk [tilespmem:v20+s2+$0x0], $0xffff;
	v29 =	vadd.f32 v29, v31;
	v46 =	vmul.u32 $0x60, v13;
	v50 =	vor.u32 v11, v44  }
0x38: {  	v12 =	vld.idx.msk [tilespmem:v15+s2+$0x0], $0xffff;
	v15 =	vor.u32 v1, v39;
	v19 =	vnsel vm1, $0x0, v19;
	v42 =	vnsel vm1, $0x0, v18  }
0x39: {  	v24 =	vld.idx.msk [tilespmem:v24+s2+$0x0], $0xffff;
	v18 =	vand.u32 $0x4, v28;
	v28 =	vadd.s32 v0, v27;
	v17 =	vnsel vm2, $0x0, v17  }
0x3a: {  	vm1 =	vgt.s32 v14, $0x0;
	v43 =	vor.u32 v18, v28;
	v45 =	vadd.f32 v17, v10;
	v10 =	vld.idx.msk [tilespmem:v59+s2+$0x0], $0xffff  }
0x3b: {  	v17 =	vand.u32 $0x6, v23;
	v23 =	vld.idx.msk [tilespmem:v60+s2+$0x0], $0xffff;
	v55 =	vnsel vm1, $0x0, v16;
	v16 =	vadd.f32 v25, v21  }
0x3c: {  	v37 =	vadd.f32 v61, v37;
	v27 =	vor.u32 v18, v44;
	v21 =	vadd.f32 v42, v38;
	v38 =	vld.idx.msk [tilespmem:v56+s2+$0x0], $0xffff  }
0x3d: {  	v51 =	vnsel vm1, $0x0, v20;
	v20 =	vor.u32 v3, v49;
	v61 =	vadd.f32 v35, v16;
	v16 =	vld.idx.msk [tilespmem:v53+s2+$0x0], $0xffff  }
0x3e: {  	v36 =	vadd.s32 v5, v49;
	v41 =	vadd.f32 v41, v37;
	v18 =	vor.u32 v17, v28;
	v37 =	vld.idx.msk [tilespmem:v50+s9+$0x0], $0xffff  }
0x3f: {  	v29 =	vadd.f32 v30, v29;
	v57 =	vadd.s32 v3, v46;
	v13 =	vor.u32 v17, v44;
	v48 =	vld.idx.msk [tilespmem:v15+s2+$0x0], $0xffff  }
0x40: {  	v31 =	vadd.s32 v7, v46;
	v47 =	vnsel vm0, $0x0, v24;
	v15 =	vor.u32 v11, v28;
	v43 =	vld.idx.msk [tilespmem:v43+s9+$0x0], $0xffff  }
0x41: {  	v54 =	vadd.f32 v19, v26;
	v26 =	vadd.s32 v2, v46;
	v60 =	vor.u32 v7, v39;
	v27 =	vld.idx.msk [tilespmem:v27+s9+$0x0], $0xffff  }
0x42: {  	v19 =	vadd.s32 v5, v46;
	v17 =	vor.u32 v2, v39;
	v62 =	vadd.f32 v40, v21;
	v33 =	vld.idx.msk [tilespmem:v20+s2+$0x0], $0xffff  }
0x43: {  	v40 =	vor.u32 v5, v39;
	v39 =	vadd.f32 v22, v54;
	v12 =	vnsel vm0, $0x0, v12;
	v18 =	vld.idx.msk [tilespmem:v18+s9+$0x0], $0xffff  }
0x44: {  	v11 =	vor.u32 v2, v49;
	v42 =	vadd.f32 v51, v61;
	v52 =	vnsel vm1, $0x0, v10;
	v14 =	vld.idx.msk [tilespmem:v13+s9+$0x0], $0xffff  }
0x45: {  	v10 =	vadd.s32 v1, v46;
	v20 =	vadd.f32 v32, v45;
	v32 =	vadd.f32 v47, v62;
	v24 =	vld.idx.msk [tilespmem:v15+s9+$0x0], $0xffff  }
0x46: {  	v13 =	vadd.s32 v6, v46;
	v22 =	vadd.f32 v52, v29;
	v15 =	vld.idx.msk [tilespmem:v63+s2+$0x0], $0xffff;
	v63 =	vand.u32 $0x7, v9  }
0x47: {  	v21 =	vld.idx.msk [tilespmem:v57+s2+$0x0], $0xffff;
	v30 =	vadd.f32 v55, v20;
	vm1 =	vgt.s32 v43, $0x0;
	v28 =	vor.u32 v63, v28  }
0x48: {  	s17 =	simm.s32 $0x4;
	v35 =	vld.idx.msk [tilespmem:v60+s2+$0x0], $0xffff;
	v29 =	vor.u32 v63, v44;
	v25 =	vnsel vm1, $0x0, v48;
	v20 =	vnsel vm1, $0x0, v58  }
.LBB2_2:
0x49: {  	s17 =	sadd.s32 $0x4, s17;
	v20 =	vadd.f32 v20, v42;
	v34 =	vld.idx.msk [tilespmem:v34+s2+$0x0], $0xffff;
	v23 =	vnsel vm0, $0x0, v23;
	v12 =	vadd.f32 v12, v41;
	v41 =	vmovc v8  }
0x4a: {  	v9 =	vmul.u32 $0x60, v9;
	p0 =	slt.u32 s17, $0x7C;
	v40 =	vld.idx.msk [tilespmem:v40+s2+$0x0], $0xffff;
	v23 =	vadd.f32 v23, v39  }
0x4b: {  	vm5 =	vgt.s32 v27, $0x0;
	vm3 =	vgt.s32 v18, $0x0;
	v27 =	vld.idx.msk [tilespmem:v31+s2+$0x0], $0xffff  }
0x4c: {  	v33 =	vnsel vm3, $0x0, v33;
	vm0 =	vgt.s32 v37, $0x0;
	v18 =	vld.idx.msk [tilespmem:v26+s2+$0x0], $0xffff;
	v26 =	vadd.s32 v7, v9  }
0x4d: {  	vm2 =	vgt.s32 v24, $0x0;
	v24 =	vadd.s32 v3, v9;
	v31 =	vadd.s32 v5, v9;
	v17 =	vld.idx.msk [tilespmem:v17+s2+$0x0], $0xffff  }
0x4e: {  	vm4 =	vgt.s32 v14, $0x0;
	v35 =	vnsel vm5, $0x0, v35;
	v37 =	vnsel vm5, $0x0, v38;
	v14 =	vld.idx.msk [tilespmem:v36+s2+$0x0], $0xffff  }
0x4f: {  	v39 =	vadd.s32 v6, v9;
	v38 =	vadd.s32 v2, v9;
	v36 =	vadd.s32 v1, v9;
	v11 =	vld.idx.msk [tilespmem:v11+s2+$0x0], $0xffff  }
0x50: {  	v8 =	vadd.s32 $0x4, v8;
	v35 =	vadd.f32 v35, v12;
	v9 =	vnsel vm5, $0x0, v40;
	v12 =	vld.idx.msk [tilespmem:v13+s2+$0x0], $0xffff  }
0x51: {  	v13 =	vadd.f32 v25, v30;
	v25 =	vadd.f32 v9, v32;
	v30 =	vnsel vm4, $0x0, v15;
	v19 =	vld.idx.msk [tilespmem:v19+s2+$0x0], $0xffff  }
0x52: {  	v15 =	vadd.f32 v37, v23;
	v37 =	vnsel vm4, $0x0, v16;
	v32 =	vnsel vm2, $0x0, v18;
	v10 =	vld.idx.msk [tilespmem:v10+s2+$0x0], $0xffff  }
0x53: {  	v16 =	vnsel vm2, $0x0, v21;
	v21 =	vnsel vm3, $0x0, v34;
	v9 =	vnsel vm1, $0x0, v17;
	v17 =	vld.idx.msk [tilespmem:v28+s9+$0x0], $0xffff  }
0x54: {  	v40 =	vnsel vm0, $0x0, v27;
	v28 =	vmul.u32 $0x60, v41;
	v22 =	vadd.f32 v9, v22;
	v18 =	vld.idx.msk [tilespmem:v29+s9+$0x0], $0xffff  }
0x55: {  	v23 =	vor.u32 $0x1, v41;
	v42 =	vnsel vm4, $0x0, v14;
	v29 =	vnsel vm3, $0x0, v11;
	v11 =	vld.idx.msk [tilespmem:v26+s2+$0x0], $0xffff  }
0x56: {  	v14 =	vor.u32 v1, v28;
	v26 =	vor.u32 $0x2, v41;
	v27 =	vnsel vm0, $0x0, v12;
	v31 =	vld.idx.msk [tilespmem:v31+s2+$0x0], $0xffff  }
0x57: {  	v9 =	vor.u32 $0x3, v41;
	v12 =	vand.u32 $0xFFFFFFF8, v41;
	v19 =	vnsel vm0, $0x0, v19  }
0x58: {  	v34 =	vand.u32 $0x4, v41;
	v43 =	vadd.s32 v0, v12;
	v10 =	vnsel vm2, $0x0, v10;
	v24 =	vld.idx.msk [tilespmem:v24+s2+$0x0], $0xffff  }
0x59: {  	v44 =	vadd.s32 v4, v12;
	v41 =	vor.u32 v34, v43;
	v45 =	vadd.f32 v10, v13;
	v10 =	vld.idx.msk [tilespmem:v38+s2+$0x0], $0xffff  }
0x5a: {  	v13 =	vor.u32 v34, v44;
	v34 =	vand.u32 $0x6, v26;
	vm0 =	vgt.s32 v18, $0x0  }
0x5b: {  	v18 =	vand.u32 $0x5, v23;
	v38 =	vor.u32 v34, v43;
	v12 =	vnsel vm0, $0x0, v11;
	v36 =	vld.idx.msk [tilespmem:v36+s2+$0x0], $0xffff  }
0x5c: {  	v46 =	vmul.u32 $0x60, v23;
	v34 =	vor.u32 v34, v44;
	v47 =	vnsel vm0, $0x0, v31  }
0x5d: {  	v49 =	vmul.u32 $0x60, v26;
	vm1 =	vgt.s32 v17, $0x0;
	v31 =	vor.u32 v18, v43;
	v48 =	vld.idx.msk [tilespmem:v14+s2+$0x0], $0xffff  }
0x5e: {  	v50 =	vor.u32 v3, v28;
	v51 =	vor.u32 v18, v44;
	v52 =	vnsel vm1, $0x0, v24;
	v41 =	vld.idx.msk [tilespmem:v41+s9+$0x0], $0xffff  }
0x5f: {  	v53 =	vor.u32 v3, v49;
	v11 =	vor.u32 v2, v49;
	v54 =	vnsel vm1, $0x0, v10;
	v23 =	vld.idx.msk [tilespmem:v39+s2+$0x0], $0xffff  }
0x60: {  	v55 =	vadd.f32 v27, v15;
	v39 =	vadd.s32 v7, v49;
	v18 =	vld.idx.msk [tilespmem:v38+s9+$0x0], $0xffff;
	v38 =	vadd.s32 v6, v49  }
0x61: {  	v17 =	vor.u32 v2, v28;
	v10 =	vadd.s32 v1, v46;
	v36 =	vnsel vm1, $0x0, v36;
	v14 =	vld.idx.msk [tilespmem:v34+s9+$0x0], $0xffff  }
0x62: {  	v22 =	vadd.f32 v32, v22;
	v26 =	vadd.s32 v2, v46;
	v27 =	vld.idx.msk [tilespmem:v13+s9+$0x0], $0xffff;
	v13 =	vadd.s32 v6, v46  }
0x63: {  	v16 =	vadd.f32 v16, v20;
	v56 =	vadd.s32 v3, v46;
	v32 =	vor.u32 v6, v28;
	v24 =	vld.idx.msk [tilespmem:v31+s9+$0x0], $0xffff  }
0x64: {  	v35 =	vadd.f32 v40, v35;
	v25 =	vadd.f32 v19, v25;
	v34 =	vor.u32 v1, v49;
	v20 =	vld.idx.msk [tilespmem:v50+s2+$0x0], $0xffff  }
0x65: {  	v31 =	vadd.s32 v7, v46;
	v50 =	vor.u32 v7, v28;
	v15 =	vld.idx.msk [tilespmem:v38+s2+$0x0], $0xffff;
	v38 =	vadd.f32 v33, v16  }
0x66: {  	v19 =	vadd.s32 v5, v46;
	vm1 =	vgt.s32 v41, $0x0;
	v46 =	vadd.f32 v42, v25;
	v16 =	vld.idx.msk [tilespmem:v39+s2+$0x0], $0xffff  }
.Ltmp0:
0x67: {  	v22 =	vadd.f32 v29, v22;
	v42 =	vadd.f32 v21, v45;
	v25 =	vnsel vm1, $0x0, v48;
	v33 =	vld.idx.msk [tilespmem:v53+s2+$0x0], $0xffff;
	(pc) =	sbr.rel @p0 .LBB2_2-.Ltmp0, $4  }
0x68: {  	v40 =	vor.u32 v5, v28;
	v41 =	vadd.f32 v37, v35;
	v39 =	vadd.f32 v30, v55;
	v21 =	vld.idx.msk [tilespmem:v56+s2+$0x0], $0xffff  }
0x69: {  	v29 =	vand.u32 $0x7, v9;
	v22 =	vadd.f32 v54, v22;
	v30 =	vadd.f32 v36, v42;
	v37 =	vld.idx.msk [tilespmem:v51+s9+$0x0], $0xffff  }
0x6a: {  	v36 =	vadd.s32 v5, v49;
	v42 =	vadd.f32 v52, v38;
	v20 =	vnsel vm1, $0x0, v20;
	v35 =	vld.idx.msk [tilespmem:v50+s2+$0x0], $0xffff  }
0x6b: {  	v28 =	vor.u32 v29, v43;
	v29 =	vor.u32 v29, v44;
	v38 =	vld.idx.msk [tilespmem:v32+s2+$0x0], $0xffff;
	v32 =	vadd.f32 v47, v46  }
0x6c: {  	_ =	sdelay $0x3  }
0x6d: {  	v8 =	vld.idx.msk [tilespmem:v34+s2+$0x0], $0xffff  }
0x6e: {  	v43 =	vld.idx.msk [tilespmem:v40+s2+$0x0], $0xffff  }
0x6f: {  	v20 =	vadd.f32 v20, v42;
	v23 =	vnsel vm0, $0x0, v23;
	v12 =	vadd.f32 v12, v41;
	v31 =	vld.idx.msk [tilespmem:v31+s2+$0x0], $0xffff  }
0x70: {  	v9 =	vmul.u32 $0x60, v9;
	vm2 =	vgt.s32 v18, $0x0;
	v44 =	vld.idx.msk [tilespmem:v26+s2+$0x0], $0xffff;
	vm4 =	vgt.s32 v27, $0x0  }
0x71: {  	v17 =	vld.idx.msk [tilespmem:v17+s2+$0x0], $0xffff;
	vm3 =	vgt.s32 v24, $0x0;
	vm5 =	vgt.s32 v14, $0x0;
	v25 =	vadd.f32 v25, v30  }
0x72: {  	v48 =	vld.idx.msk [tilespmem:v36+s2+$0x0], $0xffff;
	v23 =	vadd.f32 v23, v39;
	v45 =	vnsel vm2, $0x0, v33;
	v15 =	vnsel vm5, $0x0, v15  }
0x73: {  	v11 =	vld.idx.msk [tilespmem:v11+s2+$0x0], $0xffff;
	v16 =	vnsel vm5, $0x0, v16;
	v21 =	vnsel vm3, $0x0, v21;
	vm13 =	vgt.s32 v37, $0x0  }
0x74: {  	v13 =	vld.idx.msk [tilespmem:v13+s2+$0x0], $0xffff;
	v46 =	vadd.s32 v7, v9;
	v47 =	vadd.s32 v3, v9;
	v51 =	vadd.s32 v1, v9  }
0x75: {  	v10 =	vld.idx.msk [tilespmem:v10+s2+$0x0], $0xffff;
	v49 =	vadd.s32 v5, v9;
	v52 =	vadd.s32 v2, v9;
	v9 =	vadd.s32 v6, v9  }
0x76: {  	v19 =	vld.idx.msk [tilespmem:v19+s2+$0x0], $0xffff;
	v58 =	vadd.f32 v21, v20;
	v35 =	vnsel vm4, $0x0, v35;
	v50 =	vnsel vm4, $0x0, v38  }
0x77: {  	v29 =	vld.idx.msk [tilespmem:v29+s9+$0x0], $0xffff;
	v12 =	vadd.f32 v35, v12;
	v34 =	vnsel vm4, $0x0, v43;
	v23 =	vadd.f32 v50, v23  }
0x78: {  	v28 =	vld.idx.msk [tilespmem:v28+s9+$0x0], $0xffff;
	v18 =	vnsel vm3, $0x0, v44;
	v17 =	vnsel vm1, $0x0, v17;
	v8 =	vnsel vm2, $0x0, v8  }
0x79: {  	v54 =	vnsel vm13, $0x0, v31;
	v11 =	vnsel vm2, $0x0, v11;
	v55 =	vnsel vm5, $0x0, v48;
	v14 =	vld.idx.msk [tilespmem:v51+s2+$0x0], $0xffff  }
0x7a: {  	v13 =	vnsel vm13, $0x0, v13;
	v10 =	vnsel vm3, $0x0, v10;
	v17 =	vadd.f32 v17, v22;
	v56 =	vld.idx.msk [tilespmem:v52+s2+$0x0], $0xffff  }
0x7b: {  	v19 =	vnsel vm13, $0x0, v19;
	v53 =	vadd.f32 v34, v32;
	v10 =	vadd.f32 v10, v25;
	v24 =	vld.idx.msk [tilespmem:v47+s2+$0x0], $0xffff  }
0x7c: {  	vm14 =	vgt.s32 v29, $0x0;
	v12 =	vadd.f32 v54, v12;
	v57 =	vld.idx.msk [tilespmem:v49+s2+$0x0], $0xffff;
	v17 =	vadd.f32 v18, v17  }
0x7d: {  	vm15 =	vgt.s32 v28, $0x0;
	v13 =	vadd.f32 v13, v23;
	v9 =	vld.idx.msk [tilespmem:v9+s2+$0x0], $0xffff;
	v8 =	vadd.f32 v8, v10  }
0x7e: {  	v59 =	vld.idx.msk [tilespmem:v46+s2+$0x0], $0xffff;
	v19 =	vadd.f32 v19, v53;
	v11 =	vadd.f32 v11, v17;
	v14 =	vnsel vm15, $0x0, v14  }
0x7f: {  	v18 =	vadd.f32 v45, v58;
	v60 =	vnsel vm15, $0x0, v56;
	v8 =	vadd.f32 v14, v8  }
0x80: {  	v19 =	vadd.f32 v55, v19;
	v61 =	vnsel vm15, $0x0, v24;
	v11 =	vadd.f32 v60, v11  }
0x81: {  	v13 =	vadd.f32 v15, v13;
	v62 =	vnsel vm14, $0x0, v57;
	v14 =	vadd.f32 v61, v18;
	[tilespmem:$0x4000] =	vst v8  }
0x82: {  	v9 =	vnsel vm14, $0x0, v9;
	v63 =	vadd.f32 v62, v19;
	v8 =	vadd.f32 v16, v12;
	[tilespmem:$0x4020] =	vst v11  }
0x83: {  	v10 =	vnsel vm14, $0x0, v59;
	v9 =	vadd.f32 v9, v13;
	[tilespmem:$0x4040] =	vst v14  }
0x84: {  	[tilespmem:$0x4010] =	vst v63;
	v8 =	vadd.f32 v10, v8  }
0x85: {  	[tilespmem:$0x4030] =	vst v9  }
0x86: {  	[tilespmem:$0x4050] =	vst v8  }
0x87: {  	[hbm4b:s4+s2] =	stream.linear.scatter [tilespmem:s13], [sflag:$0x1], $0x20, $0x38;
	[tilespmem:$0x4060] =	vst v63  }
0x88: {  	_ =	swait.ge [sflag:s10], $0x20  }
0x89: {  	[sflag:s10] =	ssyncset.done $0x0  }
0x8a: {  	[sflag:s10] =	ssyncadd.s32 $0xFFFFFFE0  }
0x8b: {  	[hbm4b:s6+s2] =	stream.linear.scatter [tilespmem:s14], [sflag:$0x1], $0x20, $0x38;
	[tilespmem:$0x4060] =	vst v63  }
0x8c: {  	s16 =	sadd.s32 $0x1, s16;
	_ =	swait.ge [sflag:s10], $0x20  }
0x8d: {  	p0 =	sne.s32 s16, s8;
	[sflag:s10] =	ssyncset.done $0x0  }
.Ltmp1:
0x8e: {  	[sflag:s10] =	ssyncadd.s32 $0xFFFFFFE0;
	(pc) =	sbr.rel @p0 .LBB2_1-.Ltmp1, $4  }
0x8f: {  	[hbm4b:s7+s2] =	stream.linear.scatter [tilespmem:s15], [sflag:$0x1], $0x20, $0x38;
	[tilespmem:$0x4060] =	vst v63  }
0x90: {  	_ =	swait.ge [sflag:s10], $0x20  }
0x91: {  	[sflag:s10] =	ssyncset.done $0x0  }
0x92: {  	[sflag:s10] =	ssyncadd.s32 $0xFFFFFFE0  }
0x93: {  	_ =	sfence.sel $0x180000  }
0x94: {  	[bflag:$0x0] =	sbarrier.arrive $0xFFFF  }
0x95: {  	p0 =	sne.s32 s0, $0x0;
	_ =	strace $0x90000047  }
0x96: {  	s0 =	sadd.s32 @!p0 $0x100000, s1;
	[bflag:$0x2] =	sbarrier.arrive $0xFFFF  }
0x97: {  	[sflag:s0] =	ssyncadd.tile.s32 @!p0 $0x1;
	_ =	shalt  }
.Lfunc_end2:
_tile_overlayer_lowered:
.L_overlay_start_2:
0x98: {  	(tag) =	ssettag $0x2  }
0x99: {  	s0 =	rddreg [dreg:$0x0];
	s2 =	stileid.u32  }
0x9a: {  	s1 =	rddreg [dreg:$0x1];
	p0 =	sne.s32 s2, $0x0  }
0x9b: {  	s3 =	rddreg [dreg:$0x2];
	[bflag:$0x3] =	sbarrier.arrive $0xFFFF;
	s2 =	simm.s32 @!p0 $0x1C01  }
0x9c: {  	[timem:s3], [sflag:s2] =	dma.local @!p0 [hbm:s0], s1  }
0x9d: {  	s0 =	simm.s32 @!p0 $0x1  }
0x9e: {  	_ =	swait.ge @!p0 [sflag:s0], s1  }
0x9f: {  	s1 =	ssub.s32 @!p0 $0x0, s1;
	[sflag:s0] =	ssyncset.done @!p0 $0x0  }
0xa0: {  	[sflag:s0] =	ssyncadd.s32 @!p0 s1  }
0xa1: {  	[bflag:$0x3] =	sbarrier.arrive $0xFFFF  }
0xa2: {  	_ =	shalt  }

</sc_bundles>
